<compile_context>
chip_gen: v7x
topology: tpu7x:2x2x1
jax: 0.10.2.dev20260603
libtpu: 0.0.44.dev20260713+nightly
codegen_flags: <defaults>
</compile_context>

<pallas_src>
import functools

import jax
import jax.numpy as jnp
from jax import lax
from jax.experimental import pallas as pl
from jax.experimental.pallas import tpu as pltpu
from jax.experimental.pallas import tpu_sc as plsc

N = 10000
D = 128
H = 16
C = 6
E = 320000

NPAD = 10240
DUMMY = NPAD - 1
NW = 32
B = 128
NB = 84
EPW = NB * B
ETP = NW * EPW
RPT = NPAD // 16

def _edge_pass_body(src_hbm, dst_hbm, xnh_hbm, xnb_hbm, out_hbm,
                    sidx, didx, srows0, drows0, srows1, drows1,
                    srows2, drows2, srows3, drows3,
                    contrib0, contrib1, contrib2, contrib3, acc,
                    gs0, gd0, gs1, gd1, gs2, gd2, gs3, gd3,
                    sc0, sc1, sc2, sc3):
    c = lax.axis_index("c")
    s = lax.axis_index("s")
    wid = c * 16 + s

    def _zero(j, carry):
        contrib0[j, pl.ds(0, 16)] = jnp.zeros((16,), jnp.float32)
        contrib0[j, pl.ds(16, 16)] = jnp.zeros((16,), jnp.float32)
        return carry

    lax.fori_loop(0, B, _zero, 0)
    base = s * RPT
    for k in range(RPT // B):
        pltpu.sync_copy(contrib0, acc.at[pl.ds(base + k * B, B)])
    plsc.subcore_barrier()

    pltpu.sync_copy(src_hbm.at[wid], sidx)
    pltpu.sync_copy(dst_hbm.at[wid], didx)

    bufs = ((srows0, drows0, gs0, gd0, contrib0, sc0),
            (srows1, drows1, gs1, gd1, contrib1, sc1),
            (srows2, drows2, gs2, gd2, contrib2, sc2),
            (srows3, drows3, gs3, gd3, contrib3, sc3))

    def _fire(b, p):
        srows, drows, ss, sd, _, _ = bufs[p]
        pltpu.async_copy(xnh_hbm.at[sidx.at[b]], srows, ss)
        pltpu.async_copy(xnb_hbm.at[didx.at[b]], drows, sd)

    def _wait_gather(p):
        srows, drows, ss, sd, _, _ = bufs[p]
        pltpu.make_async_copy(xnh_hbm.at[sidx.at[0]], srows, ss).wait()
        pltpu.make_async_copy(xnb_hbm.at[didx.at[0]], drows, sd).wait()

    def _consume(b, p):
        srows, drows, _, _, contrib, sc = bufs[p]

        @functools.partial(plsc.parallel_loop, 0, B, unroll=8)
        def _edge(j):
            xs = srows[j, pl.ds(0, 16)]
            hs = srows[j, pl.ds(16, 16)]
            xd = drows[j]
            a = jnp.sum(xs * xd)
            wv = jnp.exp(jnp.full((16,), a, jnp.float32))
            contrib[j, pl.ds(0, 16)] = wv * hs
            contrib[j, pl.ds(16, 16)] = wv

        pltpu.async_copy(contrib, acc.at[didx.at[b]], sc, add=True).wait()

    _fire(0, 0)

    def _outer(i, carry):
        b0 = 2 * i
        b1 = b0 + 1
        _fire(b1, 1)
        _wait_gather(0)
        _consume(b0, 0)

        @pl.when(b1 + 1 < NB)
        def _():
            _fire(b1 + 1, 0)

        _wait_gather(1)
        _consume(b1, 1)
        return carry

    lax.fori_loop(0, NB // 2, _outer, 0)
    plsc.subcore_barrier()

    pltpu.sync_copy(acc.at[pl.ds(base, RPT)], out_hbm.at[c, pl.ds(base, RPT)])


@functools.cache
def _edge_pass():
    mesh = plsc.VectorSubcoreMesh(core_axis_name="c", subcore_axis_name="s")
    return pl.kernel(
        _edge_pass_body,
        out_type=jax.ShapeDtypeStruct((2, NPAD, 32), jnp.float32),
        mesh=mesh,
        scratch_types=[
            pltpu.VMEM((NB, B), jnp.int32),
            pltpu.VMEM((NB, B), jnp.int32),
            pltpu.VMEM((B, 32), jnp.float32),
            pltpu.VMEM((B, 16), jnp.float32),
            pltpu.VMEM((B, 32), jnp.float32),
            pltpu.VMEM((B, 16), jnp.float32),
            pltpu.VMEM((B, 32), jnp.float32),
            pltpu.VMEM((B, 16), jnp.float32),
            pltpu.VMEM((B, 32), jnp.float32),
            pltpu.VMEM((B, 16), jnp.float32),
            pltpu.VMEM((B, 32), jnp.float32),
            pltpu.VMEM((B, 32), jnp.float32),
            pltpu.VMEM((B, 32), jnp.float32),
            pltpu.VMEM((B, 32), jnp.float32),
            pltpu.VMEM_SHARED((NPAD, 32), jnp.float32),
        ] + [pltpu.SemaphoreType.DMA] * 12,
        compiler_params=pltpu.CompilerParams(
            needs_layout_passes=False, use_tc_tiling_on_sc=False),
    )


def _prep_body(x_ref, w1_ref, b1_ref, xnh_ref, xnb_ref):
    x = x_ref[...]
    h = jnp.maximum(x @ w1_ref[...] + b1_ref[...], 0.0)
    nrm = jnp.sqrt(jnp.sum(h * h, axis=1, keepdims=True))
    xn = h / jnp.maximum(nrm, 1e-12)
    pad2 = jnp.zeros((NPAD - N, 32), jnp.float32)
    pad1 = jnp.zeros((NPAD - N, 16), jnp.float32)
    xnh_ref[...] = jnp.concatenate([jnp.concatenate([xn, h], axis=1), pad2], axis=0)
    xnb_ref[...] = jnp.concatenate([xn, pad1], axis=0)


def _comb_body(nd_ref, beta_ref, x1_ref, xnh_ref, xnb_ref):
    nd = nd_ref[...]
    num = nd[0, :N, 0:16] + nd[1, :N, 0:16]
    den = nd[0, :N, 16:17] + nd[1, :N, 16:17]
    x1 = num / den
    x1_ref[...] = x1
    nrm = jnp.sqrt(jnp.sum(x1 * x1, axis=1, keepdims=True))
    xn = x1 / jnp.maximum(nrm, 1e-12)
    pad2 = jnp.zeros((NPAD - N, 32), jnp.float32)
    pad1 = jnp.zeros((NPAD - N, 16), jnp.float32)
    xnh_ref[...] = jnp.concatenate([jnp.concatenate([xn, x1], axis=1), pad2], axis=0)
    xnb_ref[...] = jnp.concatenate([xn * beta_ref[0, 0], pad1], axis=0)


def _final_body(nd_ref, w2_ref, b2_ref, out_ref):
    nd = nd_ref[...]
    num = nd[0, :N, 0:16] + nd[1, :N, 0:16]
    den = nd[0, :N, 16:17] + nd[1, :N, 16:17]
    h2 = num / den
    logits = h2 @ w2_ref[...] + b2_ref[...]
    m = jnp.max(logits, axis=1, keepdims=True)
    lse = jnp.log(jnp.sum(jnp.exp(logits - m), axis=1, keepdims=True)) + m
    out_ref[...] = logits - lse


_prep = pl.pallas_call(
    _prep_body,
    out_shape=[
        jax.ShapeDtypeStruct((NPAD, 32), jnp.float32),
        jax.ShapeDtypeStruct((NPAD, 16), jnp.float32),
    ],
)

_comb = pl.pallas_call(
    _comb_body,
    out_shape=[
        jax.ShapeDtypeStruct((N, 16), jnp.float32),
        jax.ShapeDtypeStruct((NPAD, 32), jnp.float32),
        jax.ShapeDtypeStruct((NPAD, 16), jnp.float32),
    ],
)

_final = pl.pallas_call(
    _final_body,
    out_shape=jax.ShapeDtypeStruct((N, C), jnp.float32),
)


def kernel(x, edge_index, W1, b1, beta2, W2, b2):
    loop = jnp.arange(N, dtype=jnp.int32)
    padi = N + (jnp.arange(ETP - E - N, dtype=jnp.int32) % (NPAD - N))
    src = jnp.concatenate([edge_index[0], loop, padi]).reshape(NW, NB, B)
    dst = jnp.concatenate([edge_index[1], loop, padi]).reshape(NW, NB, B)

    xnh1, xnb1 = _prep(x, W1, b1.reshape(1, H))
    ep = _edge_pass()
    nd1 = ep(src, dst, xnh1, xnb1)
    x1, xnh2, xnb2 = _comb(nd1, beta2.reshape(1, 1))
    nd2 = ep(src, dst, xnh2, xnb2)
    logp = _final(nd2, W2, b2.reshape(1, C))
    return (logp, x1)

# --- scband reference (transcript-rebuilt; emitter-appended) ---
"""Pipeline reference for scband-net-agnn-59768764892011 (READ-ONLY COPY).

The authoritative reference and input builder live on the scoring server;
editing this copy changes nothing except your own understanding.
"""

import jax, jax.numpy as jnp
import numpy as np

N = 10000
E = 320000
D = 128
H = 16
C = 6


def setup_inputs(seed: int = 0) -> dict:
    key = jax.random.key(seed)
    ks = jax.random.split(key, 8)
    x = jax.random.normal(ks[0], (N, D), dtype=jnp.float32)
    edge_index = jax.random.randint(ks[1], (2, E), 0, N, dtype=jnp.int32)
    W1 = jax.random.normal(ks[2], (D, H), dtype=jnp.float32) / np.sqrt(D)
    b1 = jnp.zeros((H,), dtype=jnp.float32)
    beta2 = jnp.ones((), dtype=jnp.float32)
    W2 = jax.random.normal(ks[3], (H, C), dtype=jnp.float32) / np.sqrt(H)
    b2 = jnp.zeros((C,), dtype=jnp.float32)
    return {"x": x, "edge_index": edge_index, "W1": W1, "b1": b1, "beta2": beta2, "W2": W2, "b2": b2}


def _agnn_conv(x, edge_index, beta):
    n = x.shape[0]
    loop = jnp.arange(n, dtype=edge_index.dtype)
    src = jnp.concatenate([edge_index[0], loop])
    dst = jnp.concatenate([edge_index[1], loop])
    # L2-normalize node features (F.normalize, eps=1e-12)
    xn = x / jnp.maximum(jnp.linalg.norm(x, axis=-1, keepdims=True), 1e-12)
    # attention logits: beta * cos(x_i, x_j), aggregated at dst (i)
    alpha = beta * jnp.sum(xn[src] * xn[dst], axis=-1)
    amax = jax.ops.segment_max(alpha, dst, num_segments=n)
    alpha = jnp.exp(alpha - amax[dst])
    asum = jax.ops.segment_sum(alpha, dst, num_segments=n)
    alpha = alpha / asum[dst]
    out = jax.ops.segment_sum(alpha[:, None] * x[src], dst, num_segments=n)
    return out


def reference(x, edge_index, W1, b1, beta2, W2, b2):
    # dropout is identity in eval mode
    h = jax.nn.relu(x @ W1 + b1)
    x1 = _agnn_conv(h, edge_index, jnp.float32(1.0))  # prop1: beta fixed = 1 (requires_grad=False)
    h2 = _agnn_conv(x1, edge_index, beta2)            # prop2: learnable beta
    logits = h2 @ W2 + b2
    return (jax.nn.log_softmax(logits, axis=1), x1)

if __name__ == "__main__":
    import jax
    _d = setup_inputs()
    print(jax.jit(kernel)(*tuple(_d.values())))

</pallas_src>

<mosaic_0001>
#map = affine_map<(d0, d1) -> (0, 0, 0)>
#map1 = affine_map<(d0, d1) -> (0, 0)>
module attributes {stable_mosaic.version = 14 : i64} {
  func.func @_edge_pass_body(%arg0: i32, %arg1: i32, %arg2: memref<32x84x128xi32, #tpu.memory_space<hbm>>, %arg3: memref<32x84x128xi32, #tpu.memory_space<hbm>>, %arg4: memref<10240x32xf32, #tpu.memory_space<hbm>>, %arg5: memref<10240x16xf32, #tpu.memory_space<hbm>>, %arg6: memref<2x10240x32xf32, #tpu.memory_space<hbm>>, %arg7: memref<84x128xi32, #tpu.memory_space<vmem>>, %arg8: memref<84x128xi32, #tpu.memory_space<vmem>>, %arg9: memref<128x32xf32, #tpu.memory_space<vmem>>, %arg10: memref<128x16xf32, #tpu.memory_space<vmem>>, %arg11: memref<128x32xf32, #tpu.memory_space<vmem>>, %arg12: memref<128x16xf32, #tpu.memory_space<vmem>>, %arg13: memref<128x32xf32, #tpu.memory_space<vmem>>, %arg14: memref<128x16xf32, #tpu.memory_space<vmem>>, %arg15: memref<128x32xf32, #tpu.memory_space<vmem>>, %arg16: memref<128x16xf32, #tpu.memory_space<vmem>>, %arg17: memref<128x32xf32, #tpu.memory_space<vmem>>, %arg18: memref<128x32xf32, #tpu.memory_space<vmem>>, %arg19: memref<128x32xf32, #tpu.memory_space<vmem>>, %arg20: memref<128x32xf32, #tpu.memory_space<vmem>>, %arg21: memref<10240x32xf32, #tpu.memory_space<vmem_shared>>, %arg22: memref<!tpu.dma_semaphore, #tpu.memory_space<semaphore_mem>>, %arg23: memref<!tpu.dma_semaphore, #tpu.memory_space<semaphore_mem>>, %arg24: memref<!tpu.dma_semaphore, #tpu.memory_space<semaphore_mem>>, %arg25: memref<!tpu.dma_semaphore, #tpu.memory_space<semaphore_mem>>, %arg26: memref<!tpu.dma_semaphore, #tpu.memory_space<semaphore_mem>>, %arg27: memref<!tpu.dma_semaphore, #tpu.memory_space<semaphore_mem>>, %arg28: memref<!tpu.dma_semaphore, #tpu.memory_space<semaphore_mem>>, %arg29: memref<!tpu.dma_semaphore, #tpu.memory_space<semaphore_mem>>, %arg30: memref<!tpu.dma_semaphore, #tpu.memory_space<semaphore_mem>>, %arg31: memref<!tpu.dma_semaphore, #tpu.memory_space<semaphore_mem>>, %arg32: memref<!tpu.dma_semaphore, #tpu.memory_space<semaphore_mem>>, %arg33: memref<!tpu.dma_semaphore, #tpu.memory_space<semaphore_mem>>) attributes {dimension_semantics = [#tpu.dimension_semantics<core_parallel>, #tpu.dimension_semantics<subcore_parallel>], iteration_bounds = array<i64: 2, 16>, scalar_prefetch = 0 : i64, scratch_operands = 27 : i64, tpu.core_type = #tpu.core_type<sc_vector_subcore>, window_params = [{transform_indices = #map}, {transform_indices = #map}, {transform_indices = #map1}, {transform_indices = #map1}, {transform_indices = #map}]} {
    %mul3A = arith.constant 16 : i32
    %mul3A_0 = arith.muli %arg0, %mul3A : i32
    %add3A = arith.addi %mul3A_0, %arg1 : i32
    %scan3A = arith.constant 0 : i32
    %scan3A_1 = arith.constant 0 : i32
    %scan3A_2 = arith.constant 128 : i32
    %scan3A_3 = arith.addi %scan3A_1, %scan3A_2 : i32
    %scan3A_4 = arith.constant 1 : i32
    scf.for %scan3A_38 = %scan3A_1 to %scan3A_3 step %scan3A_4  : i32 {
      %broadcast_in_dim3A = arith.constant 0.000000e+00 : f32
      %broadcast_in_dim3A_39 = vector.broadcast %broadcast_in_dim3A : f32 to vector<16xf32>
      %swap3A = arith.index_cast %scan3A_38 : i32 to index
      %swap3A_40 = arith.constant 0 : index
      %swap3A_41 = tpu.vector_load %arg17[%swap3A, %swap3A_40] {strides = array<i32>} : memref<128x32xf32, #tpu.memory_space<vmem>>, vector<16xf32>,
      tpu.vector_store %arg17[%swap3A, %swap3A_40], %broadcast_in_dim3A_39 {strides = array<i32>} : memref<128x32xf32, #tpu.memory_space<vmem>>, vector<16xf32>,
      %broadcast_in_dim3A_42 = arith.constant 0.000000e+00 : f32
      %broadcast_in_dim3A_43 = vector.broadcast %broadcast_in_dim3A_42 : f32 to vector<16xf32>
      %swap3A_44 = arith.index_cast %scan3A_38 : i32 to index
      %swap3A_45 = arith.constant 16 : index
      %swap3A_46 = tpu.vector_load %arg17[%swap3A_44, %swap3A_45] {strides = array<i32>} : memref<128x32xf32, #tpu.memory_space<vmem>>, vector<16xf32>,
      tpu.vector_store %arg17[%swap3A_44, %swap3A_45], %broadcast_in_dim3A_43 {strides = array<i32>} : memref<128x32xf32, #tpu.memory_space<vmem>>, vector<16xf32>,
    }
    %scan3A_5 = arith.constant 128 : i32
    %mul3A_6 = arith.constant 640 : i32
    %mul3A_7 = arith.muli %arg1, %mul3A_6 : i32
    %add3A_8 = arith.constant 0 : i32
    %add3A_9 = arith.addi %mul3A_7, %add3A_8 : i32
    "tpu.region"() ({
      %run_scoped3A = tpu.sem_alloc : memref<!tpu.dma_semaphore, #tpu.memory_space<semaphore_mem>>
      %dma_start3A_38 = arith.constant 0 : i32
      %dma_start3A_39 = tpu.memref_slice %arg21[%add3A_9, %dma_start3A_38] : memref<10240x32xf32, #tpu.memory_space<vmem_shared>> -> memref<128x32xf32, #tpu.memory_space<vmem_shared>>
      %dma_start3A_40 = arith.constant 0 : i32
      %dma_start3A_41 = tpu.memref_slice %arg21[%add3A_9, %dma_start3A_40] : memref<10240x32xf32, #tpu.memory_space<vmem_shared>> -> memref<128x32xf32, #tpu.memory_space<vmem_shared>>
      tpu.enqueue_dma source(%arg17 : memref<128x32xf32, #tpu.memory_space<vmem>>) target(%dma_start3A_41 : memref<128x32xf32, #tpu.memory_space<vmem_shared>>) target_semaphore(%run_scoped3A : memref<!tpu.dma_semaphore, #tpu.memory_space<semaphore_mem>>)
      %dma_wait3A = arith.constant 0 : i32
      %dma_wait3A_42 = tpu.memref_slice %arg21[%add3A_9, %dma_wait3A] : memref<10240x32xf32, #tpu.memory_space<vmem_shared>> -> memref<128x32xf32, #tpu.memory_space<vmem_shared>>
      %dma_wait3A_43 = arith.constant 0 : i32
      %dma_wait3A_44 = tpu.memref_slice %arg21[%add3A_9, %dma_wait3A_43] : memref<10240x32xf32, #tpu.memory_space<vmem_shared>> -> memref<128x32xf32, #tpu.memory_space<vmem_shared>>
      tpu.wait_dma2 semaphore(%run_scoped3A : memref<!tpu.dma_semaphore, #tpu.memory_space<semaphore_mem>>) src(%arg17 : memref<128x32xf32, #tpu.memory_space<vmem>>) dst(%dma_wait3A_44 : memref<128x32xf32, #tpu.memory_space<vmem_shared>>)
      tpu.yield
    }) : () -> ()
    %add3A_10 = arith.constant 128 : i32
    %add3A_11 = arith.addi %mul3A_7, %add3A_10 : i32
    "tpu.region"() ({
      %run_scoped3A = tpu.sem_alloc : memref<!tpu.dma_semaphore, #tpu.memory_space<semaphore_mem>>
      %dma_start3A_38 = arith.constant 0 : i32
      %dma_start3A_39 = tpu.memref_slice %arg21[%add3A_11, %dma_start3A_38] : memref<10240x32xf32, #tpu.memory_space<vmem_shared>> -> memref<128x32xf32, #tpu.memory_space<vmem_shared>>
      %dma_start3A_40 = arith.constant 0 : i32
      %dma_start3A_41 = tpu.memref_slice %arg21[%add3A_11, %dma_start3A_40] : memref<10240x32xf32, #tpu.memory_space<vmem_shared>> -> memref<128x32xf32, #tpu.memory_space<vmem_shared>>
      tpu.enqueue_dma source(%arg17 : memref<128x32xf32, #tpu.memory_space<vmem>>) target(%dma_start3A_41 : memref<128x32xf32, #tpu.memory_space<vmem_shared>>) target_semaphore(%run_scoped3A : memref<!tpu.dma_semaphore, #tpu.memory_space<semaphore_mem>>)
      %dma_wait3A = arith.constant 0 : i32
      %dma_wait3A_42 = tpu.memref_slice %arg21[%add3A_11, %dma_wait3A] : memref<10240x32xf32, #tpu.memory_space<vmem_shared>> -> memref<128x32xf32, #tpu.memory_space<vmem_shared>>
      %dma_wait3A_43 = arith.constant 0 : i32
      %dma_wait3A_44 = tpu.memref_slice %arg21[%add3A_11, %dma_wait3A_43] : memref<10240x32xf32, #tpu.memory_space<vmem_shared>> -> memref<128x32xf32, #tpu.memory_space<vmem_shared>>
      tpu.wait_dma2 semaphore(%run_scoped3A : memref<!tpu.dma_semaphore, #tpu.memory_space<semaphore_mem>>) src(%arg17 : memref<128x32xf32, #tpu.memory_space<vmem>>) dst(%dma_wait3A_44 : memref<128x32xf32, #tpu.memory_space<vmem_shared>>)
      tpu.yield
    }) : () -> ()
    %add3A_12 = arith.constant 256 : i32
    %add3A_13 = arith.addi %mul3A_7, %add3A_12 : i32
    "tpu.region"() ({
      %run_scoped3A = tpu.sem_alloc : memref<!tpu.dma_semaphore, #tpu.memory_space<semaphore_mem>>
      %dma_start3A_38 = arith.constant 0 : i32
      %dma_start3A_39 = tpu.memref_slice %arg21[%add3A_13, %dma_start3A_38] : memref<10240x32xf32, #tpu.memory_space<vmem_shared>> -> memref<128x32xf32, #tpu.memory_space<vmem_shared>>
      %dma_start3A_40 = arith.constant 0 : i32
      %dma_start3A_41 = tpu.memref_slice %arg21[%add3A_13, %dma_start3A_40] : memref<10240x32xf32, #tpu.memory_space<vmem_shared>> -> memref<128x32xf32, #tpu.memory_space<vmem_shared>>
      tpu.enqueue_dma source(%arg17 : memref<128x32xf32, #tpu.memory_space<vmem>>) target(%dma_start3A_41 : memref<128x32xf32, #tpu.memory_space<vmem_shared>>) target_semaphore(%run_scoped3A : memref<!tpu.dma_semaphore, #tpu.memory_space<semaphore_mem>>)
      %dma_wait3A = arith.constant 0 : i32
      %dma_wait3A_42 = tpu.memref_slice %arg21[%add3A_13, %dma_wait3A] : memref<10240x32xf32, #tpu.memory_space<vmem_shared>> -> memref<128x32xf32, #tpu.memory_space<vmem_shared>>
      %dma_wait3A_43 = arith.constant 0 : i32
      %dma_wait3A_44 = tpu.memref_slice %arg21[%add3A_13, %dma_wait3A_43] : memref<10240x32xf32, #tpu.memory_space<vmem_shared>> -> memref<128x32xf32, #tpu.memory_space<vmem_shared>>
      tpu.wait_dma2 semaphore(%run_scoped3A : memref<!tpu.dma_semaphore, #tpu.memory_space<semaphore_mem>>) src(%arg17 : memref<128x32xf32, #tpu.memory_space<vmem>>) dst(%dma_wait3A_44 : memref<128x32xf32, #tpu.memory_space<vmem_shared>>)
      tpu.yield
    }) : () -> ()
    %add3A_14 = arith.constant 384 : i32
    %add3A_15 = arith.addi %mul3A_7, %add3A_14 : i32
    "tpu.region"() ({
      %run_scoped3A = tpu.sem_alloc : memref<!tpu.dma_semaphore, #tpu.memory_space<semaphore_mem>>
      %dma_start3A_38 = arith.constant 0 : i32
      %dma_start3A_39 = tpu.memref_slice %arg21[%add3A_15, %dma_start3A_38] : memref<10240x32xf32, #tpu.memory_space<vmem_shared>> -> memref<128x32xf32, #tpu.memory_space<vmem_shared>>
      %dma_start3A_40 = arith.constant 0 : i32
      %dma_start3A_41 = tpu.memref_slice %arg21[%add3A_15, %dma_start3A_40] : memref<10240x32xf32, #tpu.memory_space<vmem_shared>> -> memref<128x32xf32, #tpu.memory_space<vmem_shared>>
      tpu.enqueue_dma source(%arg17 : memref<128x32xf32, #tpu.memory_space<vmem>>) target(%dma_start3A_41 : memref<128x32xf32, #tpu.memory_space<vmem_shared>>) target_semaphore(%run_scoped3A : memref<!tpu.dma_semaphore, #tpu.memory_space<semaphore_mem>>)
      %dma_wait3A = arith.constant 0 : i32
      %dma_wait3A_42 = tpu.memref_slice %arg21[%add3A_15, %dma_wait3A] : memref<10240x32xf32, #tpu.memory_space<vmem_shared>> -> memref<128x32xf32, #tpu.memory_space<vmem_shared>>
      %dma_wait3A_43 = arith.constant 0 : i32
      %dma_wait3A_44 = tpu.memref_slice %arg21[%add3A_15, %dma_wait3A_43] : memref<10240x32xf32, #tpu.memory_space<vmem_shared>> -> memref<128x32xf32, #tpu.memory_space<vmem_shared>>
      tpu.wait_dma2 semaphore(%run_scoped3A : memref<!tpu.dma_semaphore, #tpu.memory_space<semaphore_mem>>) src(%arg17 : memref<128x32xf32, #tpu.memory_space<vmem>>) dst(%dma_wait3A_44 : memref<128x32xf32, #tpu.memory_space<vmem_shared>>)
      tpu.yield
    }) : () -> ()
    %add3A_16 = arith.constant 512 : i32
    %add3A_17 = arith.addi %mul3A_7, %add3A_16 : i32
    "tpu.region"() ({
      %run_scoped3A = tpu.sem_alloc : memref<!tpu.dma_semaphore, #tpu.memory_space<semaphore_mem>>
      %dma_start3A_38 = arith.constant 0 : i32
      %dma_start3A_39 = tpu.memref_slice %arg21[%add3A_17, %dma_start3A_38] : memref<10240x32xf32, #tpu.memory_space<vmem_shared>> -> memref<128x32xf32, #tpu.memory_space<vmem_shared>>
      %dma_start3A_40 = arith.constant 0 : i32
      %dma_start3A_41 = tpu.memref_slice %arg21[%add3A_17, %dma_start3A_40] : memref<10240x32xf32, #tpu.memory_space<vmem_shared>> -> memref<128x32xf32, #tpu.memory_space<vmem_shared>>
      tpu.enqueue_dma source(%arg17 : memref<128x32xf32, #tpu.memory_space<vmem>>) target(%dma_start3A_41 : memref<128x32xf32, #tpu.memory_space<vmem_shared>>) target_semaphore(%run_scoped3A : memref<!tpu.dma_semaphore, #tpu.memory_space<semaphore_mem>>)
      %dma_wait3A = arith.constant 0 : i32
      %dma_wait3A_42 = tpu.memref_slice %arg21[%add3A_17, %dma_wait3A] : memref<10240x32xf32, #tpu.memory_space<vmem_shared>> -> memref<128x32xf32, #tpu.memory_space<vmem_shared>>
      %dma_wait3A_43 = arith.constant 0 : i32
      %dma_wait3A_44 = tpu.memref_slice %arg21[%add3A_17, %dma_wait3A_43] : memref<10240x32xf32, #tpu.memory_space<vmem_shared>> -> memref<128x32xf32, #tpu.memory_space<vmem_shared>>
      tpu.wait_dma2 semaphore(%run_scoped3A : memref<!tpu.dma_semaphore, #tpu.memory_space<semaphore_mem>>) src(%arg17 : memref<128x32xf32, #tpu.memory_space<vmem>>) dst(%dma_wait3A_44 : memref<128x32xf32, #tpu.memory_space<vmem_shared>>)
      tpu.yield
    }) : () -> ()
    %barrier3A = arith.constant 0 : index
    tpu.barrier barrier_id(%barrier3A)
    "tpu.region"() ({
      %run_scoped3A = tpu.sem_alloc : memref<!tpu.dma_semaphore, #tpu.memory_space<semaphore_mem>>
      %dma_start3A_38 = arith.constant 0 : i32
      %dma_start3A_39 = arith.constant 0 : i32
      %dma_start3A_40 = tpu.memref_slice %arg2[%add3A, %dma_start3A_38, %dma_start3A_39] : memref<32x84x128xi32, #tpu.memory_space<hbm>> -> memref<1x84x128xi32, #tpu.memory_space<hbm>>
      %dma_start3A_41 = tpu.memref_squeeze %dma_start3A_40 : memref<1x84x128xi32, #tpu.memory_space<hbm>> -> memref<84x128xi32, #tpu.memory_space<hbm>>
      %dma_start3A_42 = arith.constant 0 : i32
      %dma_start3A_43 = arith.constant 0 : i32
      %dma_start3A_44 = tpu.memref_slice %arg2[%add3A, %dma_start3A_42, %dma_start3A_43] : memref<32x84x128xi32, #tpu.memory_space<hbm>> -> memref<1x84x128xi32, #tpu.memory_space<hbm>>
      %dma_start3A_45 = tpu.memref_squeeze %dma_start3A_44 : memref<1x84x128xi32, #tpu.memory_space<hbm>> -> memref<84x128xi32, #tpu.memory_space<hbm>>
      tpu.enqueue_dma source(%dma_start3A_45 : memref<84x128xi32, #tpu.memory_space<hbm>>) target(%arg7 : memref<84x128xi32, #tpu.memory_space<vmem>>) target_semaphore(%run_scoped3A : memref<!tpu.dma_semaphore, #tpu.memory_space<semaphore_mem>>)
      %dma_wait3A = arith.constant 0 : i32
      %dma_wait3A_46 = arith.constant 0 : i32
      %dma_wait3A_47 = tpu.memref_slice %arg2[%add3A, %dma_wait3A, %dma_wait3A_46] : memref<32x84x128xi32, #tpu.memory_space<hbm>> -> memref<1x84x128xi32, #tpu.memory_space<hbm>>
      %dma_wait3A_48 = tpu.memref_squeeze %dma_wait3A_47 : memref<1x84x128xi32, #tpu.memory_space<hbm>> -> memref<84x128xi32, #tpu.memory_space<hbm>>
      %dma_wait3A_49 = arith.constant 0 : i32
      %dma_wait3A_50 = arith.constant 0 : i32
      %dma_wait3A_51 = tpu.memref_slice %arg2[%add3A, %dma_wait3A_49, %dma_wait3A_50] : memref<32x84x128xi32, #tpu.memory_space<hbm>> -> memref<1x84x128xi32, #tpu.memory_space<hbm>>
      %dma_wait3A_52 = tpu.memref_squeeze %dma_wait3A_51 : memref<1x84x128xi32, #tpu.memory_space<hbm>> -> memref<84x128xi32, #tpu.memory_space<hbm>>
      tpu.wait_dma2 semaphore(%run_scoped3A : memref<!tpu.dma_semaphore, #tpu.memory_space<semaphore_mem>>) src(%dma_wait3A_52 : memref<84x128xi32, #tpu.memory_space<hbm>>) dst(%arg7 : memref<84x128xi32, #tpu.memory_space<vmem>>)
      tpu.yield
    }) : () -> ()
    "tpu.region"() ({
      %run_scoped3A = tpu.sem_alloc : memref<!tpu.dma_semaphore, #tpu.memory_space<semaphore_mem>>
      %dma_start3A_38 = arith.constant 0 : i32
      %dma_start3A_39 = arith.constant 0 : i32
      %dma_start3A_40 = tpu.memref_slice %arg3[%add3A, %dma_start3A_38, %dma_start3A_39] : memref<32x84x128xi32, #tpu.memory_space<hbm>> -> memref<1x84x128xi32, #tpu.memory_space<hbm>>
      %dma_start3A_41 = tpu.memref_squeeze %dma_start3A_40 : memref<1x84x128xi32, #tpu.memory_space<hbm>> -> memref<84x128xi32, #tpu.memory_space<hbm>>
      %dma_start3A_42 = arith.constant 0 : i32
      %dma_start3A_43 = arith.constant 0 : i32
      %dma_start3A_44 = tpu.memref_slice %arg3[%add3A, %dma_start3A_42, %dma_start3A_43] : memref<32x84x128xi32, #tpu.memory_space<hbm>> -> memref<1x84x128xi32, #tpu.memory_space<hbm>>
      %dma_start3A_45 = tpu.memref_squeeze %dma_start3A_44 : memref<1x84x128xi32, #tpu.memory_space<hbm>> -> memref<84x128xi32, #tpu.memory_space<hbm>>
      tpu.enqueue_dma source(%dma_start3A_45 : memref<84x128xi32, #tpu.memory_space<hbm>>) target(%arg8 : memref<84x128xi32, #tpu.memory_space<vmem>>) target_semaphore(%run_scoped3A : memref<!tpu.dma_semaphore, #tpu.memory_space<semaphore_mem>>)
      %dma_wait3A = arith.constant 0 : i32
      %dma_wait3A_46 = arith.constant 0 : i32
      %dma_wait3A_47 = tpu.memref_slice %arg3[%add3A, %dma_wait3A, %dma_wait3A_46] : memref<32x84x128xi32, #tpu.memory_space<hbm>> -> memref<1x84x128xi32, #tpu.memory_space<hbm>>
      %dma_wait3A_48 = tpu.memref_squeeze %dma_wait3A_47 : memref<1x84x128xi32, #tpu.memory_space<hbm>> -> memref<84x128xi32, #tpu.memory_space<hbm>>
      %dma_wait3A_49 = arith.constant 0 : i32
      %dma_wait3A_50 = arith.constant 0 : i32
      %dma_wait3A_51 = tpu.memref_slice %arg3[%add3A, %dma_wait3A_49, %dma_wait3A_50] : memref<32x84x128xi32, #tpu.memory_space<hbm>> -> memref<1x84x128xi32, #tpu.memory_space<hbm>>
      %dma_wait3A_52 = tpu.memref_squeeze %dma_wait3A_51 : memref<1x84x128xi32, #tpu.memory_space<hbm>> -> memref<84x128xi32, #tpu.memory_space<hbm>>
      tpu.wait_dma2 semaphore(%run_scoped3A : memref<!tpu.dma_semaphore, #tpu.memory_space<semaphore_mem>>) src(%dma_wait3A_52 : memref<84x128xi32, #tpu.memory_space<hbm>>) dst(%arg8 : memref<84x128xi32, #tpu.memory_space<vmem>>)
      tpu.yield
    }) : () -> ()
    %dma_start3A = arith.constant 0 : i32
    %dma_start3A_18 = arith.constant 0 : i32
    %dma_start3A_19 = tpu.memref_slice %arg7[%dma_start3A, %dma_start3A_18] : memref<84x128xi32, #tpu.memory_space<vmem>> -> memref<1x128xi32, #tpu.memory_space<vmem>>
    %dma_start3A_20 = tpu.memref_squeeze %dma_start3A_19 : memref<1x128xi32, #tpu.memory_space<vmem>> -> memref<128xi32, #tpu.memory_space<vmem>>
    %dma_start3A_21 = arith.constant 0 : i32
    %dma_start3A_22 = arith.constant 0 : i32
    %dma_start3A_23 = tpu.memref_slice %arg4[%dma_start3A_21, %dma_start3A_22] : memref<10240x32xf32, #tpu.memory_space<hbm>> -> memref<10240x32xf32, #tpu.memory_space<hbm>>
    tpu.enqueue_indirect_dma source(%dma_start3A_23 : memref<10240x32xf32, #tpu.memory_space<hbm>>) target(%arg9 : memref<128x32xf32, #tpu.memory_space<vmem>>) offsets(%dma_start3A_20 : memref<128xi32, #tpu.memory_space<vmem>>) semaphore(%arg22 : memref<!tpu.dma_semaphore, #tpu.memory_space<semaphore_mem>>)
    %dma_start3A_24 = arith.constant 0 : i32
    %dma_start3A_25 = arith.constant 0 : i32
    %dma_start3A_26 = tpu.memref_slice %arg8[%dma_start3A_24, %dma_start3A_25] : memref<84x128xi32, #tpu.memory_space<vmem>> -> memref<1x128xi32, #tpu.memory_space<vmem>>
    %dma_start3A_27 = tpu.memref_squeeze %dma_start3A_26 : memref<1x128xi32, #tpu.memory_space<vmem>> -> memref<128xi32, #tpu.memory_space<vmem>>
    %dma_start3A_28 = arith.constant 0 : i32
    %dma_start3A_29 = arith.constant 0 : i32
    %dma_start3A_30 = tpu.memref_slice %arg5[%dma_start3A_28, %dma_start3A_29] : memref<10240x16xf32, #tpu.memory_space<hbm>> -> memref<10240x16xf32, #tpu.memory_space<hbm>>
    tpu.enqueue_indirect_dma source(%dma_start3A_30 : memref<10240x16xf32, #tpu.memory_space<hbm>>) target(%arg10 : memref<128x16xf32, #tpu.memory_space<vmem>>) offsets(%dma_start3A_27 : memref<128xi32, #tpu.memory_space<vmem>>) semaphore(%arg23 : memref<!tpu.dma_semaphore, #tpu.memory_space<semaphore_mem>>)
    %scan3A_31 = arith.constant 0 : i32
    %scan3A_32 = arith.constant 0 : i32
    %scan3A_33 = arith.constant 42 : i32
    %scan3A_34 = arith.addi %scan3A_32, %scan3A_33 : i32
    %scan3A_35 = arith.constant 1 : i32
    scf.for %scan3A_38 = %scan3A_32 to %scan3A_34 step %scan3A_35  : i32 {
      %mul3A_39 = arith.constant 2 : i32
      %mul3A_40 = arith.muli %mul3A_39, %scan3A_38 : i32
      %add3A_41 = arith.constant 1 : i32
      %add3A_42 = arith.addi %mul3A_40, %add3A_41 : i32
      %dma_start3A_43 = arith.constant 0 : i32
      %dma_start3A_44 = tpu.memref_slice %arg7[%add3A_42, %dma_start3A_43] : memref<84x128xi32, #tpu.memory_space<vmem>> -> memref<1x128xi32, #tpu.memory_space<vmem>>
      %dma_start3A_45 = tpu.memref_squeeze %dma_start3A_44 : memref<1x128xi32, #tpu.memory_space<vmem>> -> memref<128xi32, #tpu.memory_space<vmem>>
      %dma_start3A_46 = arith.constant 0 : i32
      %dma_start3A_47 = arith.constant 0 : i32
      %dma_start3A_48 = tpu.memref_slice %arg4[%dma_start3A_46, %dma_start3A_47] : memref<10240x32xf32, #tpu.memory_space<hbm>> -> memref<10240x32xf32, #tpu.memory_space<hbm>>
      tpu.enqueue_indirect_dma source(%dma_start3A_48 : memref<10240x32xf32, #tpu.memory_space<hbm>>) target(%arg11 : memref<128x32xf32, #tpu.memory_space<vmem>>) offsets(%dma_start3A_45 : memref<128xi32, #tpu.memory_space<vmem>>) semaphore(%arg24 : memref<!tpu.dma_semaphore, #tpu.memory_space<semaphore_mem>>)
      %dma_start3A_49 = arith.constant 0 : i32
      %dma_start3A_50 = tpu.memref_slice %arg8[%add3A_42, %dma_start3A_49] : memref<84x128xi32, #tpu.memory_space<vmem>> -> memref<1x128xi32, #tpu.memory_space<vmem>>
      %dma_start3A_51 = tpu.memref_squeeze %dma_start3A_50 : memref<1x128xi32, #tpu.memory_space<vmem>> -> memref<128xi32, #tpu.memory_space<vmem>>
      %dma_start3A_52 = arith.constant 0 : i32
      %dma_start3A_53 = arith.constant 0 : i32
      %dma_start3A_54 = tpu.memref_slice %arg5[%dma_start3A_52, %dma_start3A_53] : memref<10240x16xf32, #tpu.memory_space<hbm>> -> memref<10240x16xf32, #tpu.memory_space<hbm>>
      tpu.enqueue_indirect_dma source(%dma_start3A_54 : memref<10240x16xf32, #tpu.memory_space<hbm>>) target(%arg12 : memref<128x16xf32, #tpu.memory_space<vmem>>) offsets(%dma_start3A_51 : memref<128xi32, #tpu.memory_space<vmem>>) semaphore(%arg25 : memref<!tpu.dma_semaphore, #tpu.memory_space<semaphore_mem>>)
      %dma_wait3A = arith.constant 0 : i32
      %dma_wait3A_55 = arith.constant 0 : i32
      %dma_wait3A_56 = tpu.memref_slice %arg7[%dma_wait3A, %dma_wait3A_55] : memref<84x128xi32, #tpu.memory_space<vmem>> -> memref<1x128xi32, #tpu.memory_space<vmem>>
      %dma_wait3A_57 = tpu.memref_squeeze %dma_wait3A_56 : memref<1x128xi32, #tpu.memory_space<vmem>> -> memref<128xi32, #tpu.memory_space<vmem>>
      %dma_wait3A_58 = arith.constant 0 : i32
      %dma_wait3A_59 = arith.constant 0 : i32
      %dma_wait3A_60 = tpu.memref_slice %arg4[%dma_wait3A_58, %dma_wait3A_59] : memref<10240x32xf32, #tpu.memory_space<hbm>> -> memref<10240x32xf32, #tpu.memory_space<hbm>>
      tpu.wait_indirect_dma semaphore(%arg22 : memref<!tpu.dma_semaphore, #tpu.memory_space<semaphore_mem>>) src(%dma_wait3A_60 : memref<10240x32xf32, #tpu.memory_space<hbm>>) dst(%arg9 : memref<128x32xf32, #tpu.memory_space<vmem>>)
      %dma_wait3A_61 = arith.constant 0 : i32
      %dma_wait3A_62 = arith.constant 0 : i32
      %dma_wait3A_63 = tpu.memref_slice %arg8[%dma_wait3A_61, %dma_wait3A_62] : memref<84x128xi32, #tpu.memory_space<vmem>> -> memref<1x128xi32, #tpu.memory_space<vmem>>
      %dma_wait3A_64 = tpu.memref_squeeze %dma_wait3A_63 : memref<1x128xi32, #tpu.memory_space<vmem>> -> memref<128xi32, #tpu.memory_space<vmem>>
      %dma_wait3A_65 = arith.constant 0 : i32
      %dma_wait3A_66 = arith.constant 0 : i32
      %dma_wait3A_67 = tpu.memref_slice %arg5[%dma_wait3A_65, %dma_wait3A_66] : memref<10240x16xf32, #tpu.memory_space<hbm>> -> memref<10240x16xf32, #tpu.memory_space<hbm>>
      tpu.wait_indirect_dma semaphore(%arg23 : memref<!tpu.dma_semaphore, #tpu.memory_space<semaphore_mem>>) src(%dma_wait3A_67 : memref<10240x16xf32, #tpu.memory_space<hbm>>) dst(%arg10 : memref<128x16xf32, #tpu.memory_space<vmem>>)
      %dma_start3A_68 = arith.constant 0 : i32
      %dma_start3A_69 = tpu.memref_slice %arg8[%mul3A_40, %dma_start3A_68] : memref<84x128xi32, #tpu.memory_space<vmem>> -> memref<1x128xi32, #tpu.memory_space<vmem>>
      %dma_start3A_70 = tpu.memref_squeeze %dma_start3A_69 : memref<1x128xi32, #tpu.memory_space<vmem>> -> memref<128xi32, #tpu.memory_space<vmem>>
      %dma_start3A_71 = arith.constant 0 : i32
      %dma_start3A_72 = arith.constant 0 : i32
      %dma_start3A_73 = tpu.memref_slice %arg21[%dma_start3A_71, %dma_start3A_72] : memref<10240x32xf32, #tpu.memory_space<vmem_shared>> -> memref<10240x32xf32, #tpu.memory_space<vmem_shared>>
      tpu.enqueue_indirect_dma source(%arg17 : memref<128x32xf32, #tpu.memory_space<vmem>>) target(%dma_start3A_73 : memref<10240x32xf32, #tpu.memory_space<vmem_shared>>) offsets(%dma_start3A_70 : memref<128xi32, #tpu.memory_space<vmem>>) semaphore(%arg30 : memref<!tpu.dma_semaphore, #tpu.memory_space<semaphore_mem>>) {add = true}
      %dma_wait3A_74 = arith.constant 0 : i32
      %dma_wait3A_75 = tpu.memref_slice %arg8[%mul3A_40, %dma_wait3A_74] : memref<84x128xi32, #tpu.memory_space<vmem>> -> memref<1x128xi32, #tpu.memory_space<vmem>>
      %dma_wait3A_76 = tpu.memref_squeeze %dma_wait3A_75 : memref<1x128xi32, #tpu.memory_space<vmem>> -> memref<128xi32, #tpu.memory_space<vmem>>
      %dma_wait3A_77 = arith.constant 0 : i32
      %dma_wait3A_78 = arith.constant 0 : i32
      %dma_wait3A_79 = tpu.memref_slice %arg21[%dma_wait3A_77, %dma_wait3A_78] : memref<10240x32xf32, #tpu.memory_space<vmem_shared>> -> memref<10240x32xf32, #tpu.memory_space<vmem_shared>>
      tpu.wait_indirect_dma semaphore(%arg30 : memref<!tpu.dma_semaphore, #tpu.memory_space<semaphore_mem>>) src(%arg17 : memref<128x32xf32, #tpu.memory_space<vmem>>) dst(%dma_wait3A_79 : memref<10240x32xf32, #tpu.memory_space<vmem_shared>>)
      %add3A_80 = arith.constant 1 : i32
      %add3A_81 = arith.addi %add3A_42, %add3A_80 : i32
      %lt3A = arith.constant 84 : i32
      %lt3A_82 = arith.cmpi slt, %add3A_81, %lt3A : i32
      %convert_element_type3A = arith.extui %lt3A_82 : i1 to i32
      %cond3A = arith.constant 0 : i32
      %cond3A_83 = arith.cmpi ne, %convert_element_type3A, %cond3A : i32
      scf.if %cond3A_83 {
        %add3A_110 = arith.constant 1 : i32
        %add3A_111 = arith.addi %add3A_42, %add3A_110 : i32
        %dma_start3A_112 = arith.constant 0 : i32
        %dma_start3A_113 = tpu.memref_slice %arg7[%add3A_111, %dma_start3A_112] : memref<84x128xi32, #tpu.memory_space<vmem>> -> memref<1x128xi32, #tpu.memory_space<vmem>>
        %dma_start3A_114 = tpu.memref_squeeze %dma_start3A_113 : memref<1x128xi32, #tpu.memory_space<vmem>> -> memref<128xi32, #tpu.memory_space<vmem>>
        %dma_start3A_115 = arith.constant 0 : i32
        %dma_start3A_116 = arith.constant 0 : i32
        %dma_start3A_117 = tpu.memref_slice %arg4[%dma_start3A_115, %dma_start3A_116] : memref<10240x32xf32, #tpu.memory_space<hbm>> -> memref<10240x32xf32, #tpu.memory_space<hbm>>
        tpu.enqueue_indirect_dma source(%dma_start3A_117 : memref<10240x32xf32, #tpu.memory_space<hbm>>) target(%arg9 : memref<128x32xf32, #tpu.memory_space<vmem>>) offsets(%dma_start3A_114 : memref<128xi32, #tpu.memory_space<vmem>>) semaphore(%arg22 : memref<!tpu.dma_semaphore, #tpu.memory_space<semaphore_mem>>)
        %dma_start3A_118 = arith.constant 0 : i32
        %dma_start3A_119 = tpu.memref_slice %arg8[%add3A_111, %dma_start3A_118] : memref<84x128xi32, #tpu.memory_space<vmem>> -> memref<1x128xi32, #tpu.memory_space<vmem>>
        %dma_start3A_120 = tpu.memref_squeeze %dma_start3A_119 : memref<1x128xi32, #tpu.memory_space<vmem>> -> memref<128xi32, #tpu.memory_space<vmem>>
        %dma_start3A_121 = arith.constant 0 : i32
        %dma_start3A_122 = arith.constant 0 : i32
        %dma_start3A_123 = tpu.memref_slice %arg5[%dma_start3A_121, %dma_start3A_122] : memref<10240x16xf32, #tpu.memory_space<hbm>> -> memref<10240x16xf32, #tpu.memory_space<hbm>>
        tpu.enqueue_indirect_dma source(%dma_start3A_123 : memref<10240x16xf32, #tpu.memory_space<hbm>>) target(%arg10 : memref<128x16xf32, #tpu.memory_space<vmem>>) offsets(%dma_start3A_120 : memref<128xi32, #tpu.memory_space<vmem>>) semaphore(%arg23 : memref<!tpu.dma_semaphore, #tpu.memory_space<semaphore_mem>>)
      } else {
      }
      %dma_wait3A_84 = arith.constant 0 : i32
      %dma_wait3A_85 = arith.constant 0 : i32
      %dma_wait3A_86 = tpu.memref_slice %arg7[%dma_wait3A_84, %dma_wait3A_85] : memref<84x128xi32, #tpu.memory_space<vmem>> -> memref<1x128xi32, #tpu.memory_space<vmem>>
      %dma_wait3A_87 = tpu.memref_squeeze %dma_wait3A_86 : memref<1x128xi32, #tpu.memory_space<vmem>> -> memref<128xi32, #tpu.memory_space<vmem>>
      %dma_wait3A_88 = arith.constant 0 : i32
      %dma_wait3A_89 = arith.constant 0 : i32
      %dma_wait3A_90 = tpu.memref_slice %arg4[%dma_wait3A_88, %dma_wait3A_89] : memref<10240x32xf32, #tpu.memory_space<hbm>> -> memref<10240x32xf32, #tpu.memory_space<hbm>>
      tpu.wait_indirect_dma semaphore(%arg24 : memref<!tpu.dma_semaphore, #tpu.memory_space<semaphore_mem>>) src(%dma_wait3A_90 : memref<10240x32xf32, #tpu.memory_space<hbm>>) dst(%arg11 : memref<128x32xf32, #tpu.memory_space<vmem>>)
      %dma_wait3A_91 = arith.constant 0 : i32
      %dma_wait3A_92 = arith.constant 0 : i32
      %dma_wait3A_93 = tpu.memref_slice %arg8[%dma_wait3A_91, %dma_wait3A_92] : memref<84x128xi32, #tpu.memory_space<vmem>> -> memref<1x128xi32, #tpu.memory_space<vmem>>
      %dma_wait3A_94 = tpu.memref_squeeze %dma_wait3A_93 : memref<1x128xi32, #tpu.memory_space<vmem>> -> memref<128xi32, #tpu.memory_space<vmem>>
      %dma_wait3A_95 = arith.constant 0 : i32
      %dma_wait3A_96 = arith.constant 0 : i32
      %dma_wait3A_97 = tpu.memref_slice %arg5[%dma_wait3A_95, %dma_wait3A_96] : memref<10240x16xf32, #tpu.memory_space<hbm>> -> memref<10240x16xf32, #tpu.memory_space<hbm>>
      tpu.wait_indirect_dma semaphore(%arg25 : memref<!tpu.dma_semaphore, #tpu.memory_space<semaphore_mem>>) src(%dma_wait3A_97 : memref<10240x16xf32, #tpu.memory_space<hbm>>) dst(%arg12 : memref<128x16xf32, #tpu.memory_space<vmem>>)
      %dma_start3A_98 = arith.constant 0 : i32
      %dma_start3A_99 = tpu.memref_slice %arg8[%add3A_42, %dma_start3A_98] : memref<84x128xi32, #tpu.memory_space<vmem>> -> memref<1x128xi32, #tpu.memory_space<vmem>>
      %dma_start3A_100 = tpu.memref_squeeze %dma_start3A_99 : memref<1x128xi32, #tpu.memory_space<vmem>> -> memref<128xi32, #tpu.memory_space<vmem>>
      %dma_start3A_101 = arith.constant 0 : i32
      %dma_start3A_102 = arith.constant 0 : i32
      %dma_start3A_103 = tpu.memref_slice %arg21[%dma_start3A_101, %dma_start3A_102] : memref<10240x32xf32, #tpu.memory_space<vmem_shared>> -> memref<10240x32xf32, #tpu.memory_space<vmem_shared>>
      tpu.enqueue_indirect_dma source(%arg18 : memref<128x32xf32, #tpu.memory_space<vmem>>) target(%dma_start3A_103 : memref<10240x32xf32, #tpu.memory_space<vmem_shared>>) offsets(%dma_start3A_100 : memref<128xi32, #tpu.memory_space<vmem>>) semaphore(%arg31 : memref<!tpu.dma_semaphore, #tpu.memory_space<semaphore_mem>>) {add = true}
      %dma_wait3A_104 = arith.constant 0 : i32
      %dma_wait3A_105 = tpu.memref_slice %arg8[%add3A_42, %dma_wait3A_104] : memref<84x128xi32, #tpu.memory_space<vmem>> -> memref<1x128xi32, #tpu.memory_space<vmem>>
      %dma_wait3A_106 = tpu.memref_squeeze %dma_wait3A_105 : memref<1x128xi32, #tpu.memory_space<vmem>> -> memref<128xi32, #tpu.memory_space<vmem>>
      %dma_wait3A_107 = arith.constant 0 : i32
      %dma_wait3A_108 = arith.constant 0 : i32
      %dma_wait3A_109 = tpu.memref_slice %arg21[%dma_wait3A_107, %dma_wait3A_108] : memref<10240x32xf32, #tpu.memory_space<vmem_shared>> -> memref<10240x32xf32, #tpu.memory_space<vmem_shared>>
      tpu.wait_indirect_dma semaphore(%arg31 : memref<!tpu.dma_semaphore, #tpu.memory_space<semaphore_mem>>) src(%arg18 : memref<128x32xf32, #tpu.memory_space<vmem>>) dst(%dma_wait3A_109 : memref<10240x32xf32, #tpu.memory_space<vmem_shared>>)
    }
    %scan3A_36 = arith.constant 42 : i32
    %barrier3A_37 = arith.constant 0 : index
    tpu.barrier barrier_id(%barrier3A_37)
    "tpu.region"() ({
      %run_scoped3A = tpu.sem_alloc : memref<!tpu.dma_semaphore, #tpu.memory_space<semaphore_mem>>
      %dma_start3A_38 = arith.constant 0 : i32
      %dma_start3A_39 = tpu.memref_slice %arg6[%arg0, %mul3A_7, %dma_start3A_38] : memref<2x10240x32xf32, #tpu.memory_space<hbm>> -> memref<1x640x32xf32, #tpu.memory_space<hbm>>
      %dma_start3A_40 = tpu.memref_squeeze %dma_start3A_39 : memref<1x640x32xf32, #tpu.memory_space<hbm>> -> memref<640x32xf32, #tpu.memory_space<hbm>>
      %dma_start3A_41 = arith.constant 0 : i32
      %dma_start3A_42 = tpu.memref_slice %arg21[%mul3A_7, %dma_start3A_41] : memref<10240x32xf32, #tpu.memory_space<vmem_shared>> -> memref<640x32xf32, #tpu.memory_space<vmem_shared>>
      tpu.enqueue_dma source(%dma_start3A_42 : memref<640x32xf32, #tpu.memory_space<vmem_shared>>) target(%dma_start3A_40 : memref<640x32xf32, #tpu.memory_space<hbm>>) target_semaphore(%run_scoped3A : memref<!tpu.dma_semaphore, #tpu.memory_space<semaphore_mem>>)
      %dma_wait3A = arith.constant 0 : i32
      %dma_wait3A_43 = tpu.memref_slice %arg6[%arg0, %mul3A_7, %dma_wait3A] : memref<2x10240x32xf32, #tpu.memory_space<hbm>> -> memref<1x640x32xf32, #tpu.memory_space<hbm>>
      %dma_wait3A_44 = tpu.memref_squeeze %dma_wait3A_43 : memref<1x640x32xf32, #tpu.memory_space<hbm>> -> memref<640x32xf32, #tpu.memory_space<hbm>>
      %dma_wait3A_45 = arith.constant 0 : i32
      %dma_wait3A_46 = tpu.memref_slice %arg21[%mul3A_7, %dma_wait3A_45] : memref<10240x32xf32, #tpu.memory_space<vmem_shared>> -> memref<640x32xf32, #tpu.memory_space<vmem_shared>>
      tpu.wait_dma2 semaphore(%run_scoped3A : memref<!tpu.dma_semaphore, #tpu.memory_space<semaphore_mem>>) src(%dma_wait3A_46 : memref<640x32xf32, #tpu.memory_space<vmem_shared>>) dst(%dma_wait3A_44 : memref<640x32xf32, #tpu.memory_space<hbm>>)
      tpu.yield
    }) : () -> ()
    return
  }
}

#map = affine_map<(d0, d1) -> (0, 0, 0)>
#map1 = affine_map<(d0, d1) -> (0, 0)>
module attributes {stable_mosaic.version = 14 : i64} {
  func.func @_edge_pass_body(%arg0: i32, %arg1: i32, %arg2: memref<32x84x128xi32, #tpu.memory_space<hbm>>, %arg3: memref<32x84x128xi32, #tpu.memory_space<hbm>>, %arg4: memref<10240x32xf32, #tpu.memory_space<hbm>>, %arg5: memref<10240x16xf32, #tpu.memory_space<hbm>>, %arg6: memref<2x10240x32xf32, #tpu.memory_space<hbm>>, %arg7: memref<84x128xi32, #tpu.memory_space<vmem>>, %arg8: memref<84x128xi32, #tpu.memory_space<vmem>>, %arg9: memref<128x32xf32, #tpu.memory_space<vmem>>, %arg10: memref<128x16xf32, #tpu.memory_space<vmem>>, %arg11: memref<128x32xf32, #tpu.memory_space<vmem>>, %arg12: memref<128x16xf32, #tpu.memory_space<vmem>>, %arg13: memref<128x32xf32, #tpu.memory_space<vmem>>, %arg14: memref<128x16xf32, #tpu.memory_space<vmem>>, %arg15: memref<128x32xf32, #tpu.memory_space<vmem>>, %arg16: memref<128x16xf32, #tpu.memory_space<vmem>>, %arg17: memref<128x32xf32, #tpu.memory_space<vmem>>, %arg18: memref<128x32xf32, #tpu.memory_space<vmem>>, %arg19: memref<128x32xf32, #tpu.memory_space<vmem>>, %arg20: memref<128x32xf32, #tpu.memory_space<vmem>>, %arg21: memref<10240x32xf32, #tpu.memory_space<vmem_shared>>, %arg22: memref<!tpu.dma_semaphore, #tpu.memory_space<semaphore_mem>>, %arg23: memref<!tpu.dma_semaphore, #tpu.memory_space<semaphore_mem>>, %arg24: memref<!tpu.dma_semaphore, #tpu.memory_space<semaphore_mem>>, %arg25: memref<!tpu.dma_semaphore, #tpu.memory_space<semaphore_mem>>, %arg26: memref<!tpu.dma_semaphore, #tpu.memory_space<semaphore_mem>>, %arg27: memref<!tpu.dma_semaphore, #tpu.memory_space<semaphore_mem>>, %arg28: memref<!tpu.dma_semaphore, #tpu.memory_space<semaphore_mem>>, %arg29: memref<!tpu.dma_semaphore, #tpu.memory_space<semaphore_mem>>, %arg30: memref<!tpu.dma_semaphore, #tpu.memory_space<semaphore_mem>>, %arg31: memref<!tpu.dma_semaphore, #tpu.memory_space<semaphore_mem>>, %arg32: memref<!tpu.dma_semaphore, #tpu.memory_space<semaphore_mem>>, %arg33: memref<!tpu.dma_semaphore, #tpu.memory_space<semaphore_mem>>) attributes {dimension_semantics = [#tpu.dimension_semantics<core_parallel>, #tpu.dimension_semantics<subcore_parallel>], iteration_bounds = array<i64: 2, 16>, scalar_prefetch = 0 : i64, scratch_operands = 27 : i64, tpu.core_type = #tpu.core_type<sc_vector_subcore>, window_params = [{transform_indices = #map}, {transform_indices = #map}, {transform_indices = #map1}, {transform_indices = #map1}, {transform_indices = #map}]} {
    %mul3A = arith.constant 16 : i32
    %mul3A_0 = arith.muli %arg0, %mul3A : i32
    %add3A = arith.addi %mul3A_0, %arg1 : i32
    %scan3A = arith.constant 0 : i32
    %scan3A_1 = arith.constant 0 : i32
    %scan3A_2 = arith.constant 128 : i32
    %scan3A_3 = arith.addi %scan3A_1, %scan3A_2 : i32
    %scan3A_4 = arith.constant 1 : i32
    scf.for %scan3A_38 = %scan3A_1 to %scan3A_3 step %scan3A_4  : i32 {
      %broadcast_in_dim3A = arith.constant 0.000000e+00 : f32
      %broadcast_in_dim3A_39 = vector.broadcast %broadcast_in_dim3A : f32 to vector<16xf32>
      %swap3A = arith.index_cast %scan3A_38 : i32 to index
      %swap3A_40 = arith.constant 0 : index
      %swap3A_41 = tpu.vector_load %arg17[%swap3A, %swap3A_40] {strides = array<i32>} : memref<128x32xf32, #tpu.memory_space<vmem>>, vector<16xf32>,
      tpu.vector_store %arg17[%swap3A, %swap3A_40], %broadcast_in_dim3A_39 {strides = array<i32>} : memref<128x32xf32, #tpu.memory_space<vmem>>, vector<16xf32>,
      %broadcast_in_dim3A_42 = arith.constant 0.000000e+00 : f32
      %broadcast_in_dim3A_43 = vector.broadcast %broadcast_in_dim3A_42 : f32 to vector<16xf32>
      %swap3A_44 = arith.index_cast %scan3A_38 : i32 to index
      %swap3A_45 = arith.constant 16 : index
      %swap3A_46 = tpu.vector_load %arg17[%swap3A_44, %swap3A_45] {strides = array<i32>} : memref<128x32xf32, #tpu.memory_space<vmem>>, vector<16xf32>,
      tpu.vector_store %arg17[%swap3A_44, %swap3A_45], %broadcast_in_dim3A_43 {strides = array<i32>} : memref<128x32xf32, #tpu.memory_space<vmem>>, vector<16xf32>,
    }
    %scan3A_5 = arith.constant 128 : i32
    %mul3A_6 = arith.constant 640 : i32
    %mul3A_7 = arith.muli %arg1, %mul3A_6 : i32
    %add3A_8 = arith.constant 0 : i32
    %add3A_9 = arith.addi %mul3A_7, %add3A_8 : i32
    "tpu.region"() ({
      %run_scoped3A = tpu.sem_alloc : memref<!tpu.dma_semaphore, #tpu.memory_space<semaphore_mem>>
      %dma_start3A_38 = arith.constant 0 : i32
      %dma_start3A_39 = tpu.memref_slice %arg21[%add3A_9, %dma_start3A_38] : memref<10240x32xf32, #tpu.memory_space<vmem_shared>> -> memref<128x32xf32, #tpu.memory_space<vmem_shared>>
      %dma_start3A_40 = arith.constant 0 : i32
      %dma_start3A_41 = tpu.memref_slice %arg21[%add3A_9, %dma_start3A_40] : memref<10240x32xf32, #tpu.memory_space<vmem_shared>> -> memref<128x32xf32, #tpu.memory_space<vmem_shared>>
      tpu.enqueue_dma source(%arg17 : memref<128x32xf32, #tpu.memory_space<vmem>>) target(%dma_start3A_41 : memref<128x32xf32, #tpu.memory_space<vmem_shared>>) target_semaphore(%run_scoped3A : memref<!tpu.dma_semaphore, #tpu.memory_space<semaphore_mem>>)
      %dma_wait3A = arith.constant 0 : i32
      %dma_wait3A_42 = tpu.memref_slice %arg21[%add3A_9, %dma_wait3A] : memref<10240x32xf32, #tpu.memory_space<vmem_shared>> -> memref<128x32xf32, #tpu.memory_space<vmem_shared>>
      %dma_wait3A_43 = arith.constant 0 : i32
      %dma_wait3A_44 = tpu.memref_slice %arg21[%add3A_9, %dma_wait3A_43] : memref<10240x32xf32, #tpu.memory_space<vmem_shared>> -> memref<128x32xf32, #tpu.memory_space<vmem_shared>>
      tpu.wait_dma2 semaphore(%run_scoped3A : memref<!tpu.dma_semaphore, #tpu.memory_space<semaphore_mem>>) src(%arg17 : memref<128x32xf32, #tpu.memory_space<vmem>>) dst(%dma_wait3A_44 : memref<128x32xf32, #tpu.memory_space<vmem_shared>>)
      tpu.yield
    }) : () -> ()
    %add3A_10 = arith.constant 128 : i32
    %add3A_11 = arith.addi %mul3A_7, %add3A_10 : i32
    "tpu.region"() ({
      %run_scoped3A = tpu.sem_alloc : memref<!tpu.dma_semaphore, #tpu.memory_space<semaphore_mem>>
      %dma_start3A_38 = arith.constant 0 : i32
      %dma_start3A_39 = tpu.memref_slice %arg21[%add3A_11, %dma_start3A_38] : memref<10240x32xf32, #tpu.memory_space<vmem_shared>> -> memref<128x32xf32, #tpu.memory_space<vmem_shared>>
      %dma_start3A_40 = arith.constant 0 : i32
      %dma_start3A_41 = tpu.memref_slice %arg21[%add3A_11, %dma_start3A_40] : memref<10240x32xf32, #tpu.memory_space<vmem_shared>> -> memref<128x32xf32, #tpu.memory_space<vmem_shared>>
      tpu.enqueue_dma source(%arg17 : memref<128x32xf32, #tpu.memory_space<vmem>>) target(%dma_start3A_41 : memref<128x32xf32, #tpu.memory_space<vmem_shared>>) target_semaphore(%run_scoped3A : memref<!tpu.dma_semaphore, #tpu.memory_space<semaphore_mem>>)
      %dma_wait3A = arith.constant 0 : i32
      %dma_wait3A_42 = tpu.memref_slice %arg21[%add3A_11, %dma_wait3A] : memref<10240x32xf32, #tpu.memory_space<vmem_shared>> -> memref<128x32xf32, #tpu.memory_space<vmem_shared>>
      %dma_wait3A_43 = arith.constant 0 : i32
      %dma_wait3A_44 = tpu.memref_slice %arg21[%add3A_11, %dma_wait3A_43] : memref<10240x32xf32, #tpu.memory_space<vmem_shared>> -> memref<128x32xf32, #tpu.memory_space<vmem_shared>>
      tpu.wait_dma2 semaphore(%run_scoped3A : memref<!tpu.dma_semaphore, #tpu.memory_space<semaphore_mem>>) src(%arg17 : memref<128x32xf32, #tpu.memory_space<vmem>>) dst(%dma_wait3A_44 : memref<128x32xf32, #tpu.memory_space<vmem_shared>>)
      tpu.yield
    }) : () -> ()
    %add3A_12 = arith.constant 256 : i32
    %add3A_13 = arith.addi %mul3A_7, %add3A_12 : i32
    "tpu.region"() ({
      %run_scoped3A = tpu.sem_alloc : memref<!tpu.dma_semaphore, #tpu.memory_space<semaphore_mem>>
      %dma_start3A_38 = arith.constant 0 : i32
      %dma_start3A_39 = tpu.memref_slice %arg21[%add3A_13, %dma_start3A_38] : memref<10240x32xf32, #tpu.memory_space<vmem_shared>> -> memref<128x32xf32, #tpu.memory_space<vmem_shared>>
      %dma_start3A_40 = arith.constant 0 : i32
      %dma_start3A_41 = tpu.memref_slice %arg21[%add3A_13, %dma_start3A_40] : memref<10240x32xf32, #tpu.memory_space<vmem_shared>> -> memref<128x32xf32, #tpu.memory_space<vmem_shared>>
      tpu.enqueue_dma source(%arg17 : memref<128x32xf32, #tpu.memory_space<vmem>>) target(%dma_start3A_41 : memref<128x32xf32, #tpu.memory_space<vmem_shared>>) target_semaphore(%run_scoped3A : memref<!tpu.dma_semaphore, #tpu.memory_space<semaphore_mem>>)
      %dma_wait3A = arith.constant 0 : i32
      %dma_wait3A_42 = tpu.memref_slice %arg21[%add3A_13, %dma_wait3A] : memref<10240x32xf32, #tpu.memory_space<vmem_shared>> -> memref<128x32xf32, #tpu.memory_space<vmem_shared>>
      %dma_wait3A_43 = arith.constant 0 : i32
      %dma_wait3A_44 = tpu.memref_slice %arg21[%add3A_13, %dma_wait3A_43] : memref<10240x32xf32, #tpu.memory_space<vmem_shared>> -> memref<128x32xf32, #tpu.memory_space<vmem_shared>>
      tpu.wait_dma2 semaphore(%run_scoped3A : memref<!tpu.dma_semaphore, #tpu.memory_space<semaphore_mem>>) src(%arg17 : memref<128x32xf32, #tpu.memory_space<vmem>>) dst(%dma_wait3A_44 : memref<128x32xf32, #tpu.memory_space<vmem_shared>>)
      tpu.yield
    }) : () -> ()
    %add3A_14 = arith.constant 384 : i32
    %add3A_15 = arith.addi %mul3A_7, %add3A_14 : i32
    "tpu.region"() ({
      %run_scoped3A = tpu.sem_alloc : memref<!tpu.dma_semaphore, #tpu.memory_space<semaphore_mem>>
      %dma_start3A_38 = arith.constant 0 : i32
      %dma_start3A_39 = tpu.memref_slice %arg21[%add3A_15, %dma_start3A_38] : memref<10240x32xf32, #tpu.memory_space<vmem_shared>> -> memref<128x32xf32, #tpu.memory_space<vmem_shared>>
      %dma_start3A_40 = arith.constant 0 : i32
      %dma_start3A_41 = tpu.memref_slice %arg21[%add3A_15, %dma_start3A_40] : memref<10240x32xf32, #tpu.memory_space<vmem_shared>> -> memref<128x32xf32, #tpu.memory_space<vmem_shared>>
      tpu.enqueue_dma source(%arg17 : memref<128x32xf32, #tpu.memory_space<vmem>>) target(%dma_start3A_41 : memref<128x32xf32, #tpu.memory_space<vmem_shared>>) target_semaphore(%run_scoped3A : memref<!tpu.dma_semaphore, #tpu.memory_space<semaphore_mem>>)
      %dma_wait3A = arith.constant 0 : i32
      %dma_wait3A_42 = tpu.memref_slice %arg21[%add3A_15, %dma_wait3A] : memref<10240x32xf32, #tpu.memory_space<vmem_shared>> -> memref<128x32xf32, #tpu.memory_space<vmem_shared>>
      %dma_wait3A_43 = arith.constant 0 : i32
      %dma_wait3A_44 = tpu.memref_slice %arg21[%add3A_15, %dma_wait3A_43] : memref<10240x32xf32, #tpu.memory_space<vmem_shared>> -> memref<128x32xf32, #tpu.memory_space<vmem_shared>>
      tpu.wait_dma2 semaphore(%run_scoped3A : memref<!tpu.dma_semaphore, #tpu.memory_space<semaphore_mem>>) src(%arg17 : memref<128x32xf32, #tpu.memory_space<vmem>>) dst(%dma_wait3A_44 : memref<128x32xf32, #tpu.memory_space<vmem_shared>>)
      tpu.yield
    }) : () -> ()
    %add3A_16 = arith.constant 512 : i32
    %add3A_17 = arith.addi %mul3A_7, %add3A_16 : i32
    "tpu.region"() ({
      %run_scoped3A = tpu.sem_alloc : memref<!tpu.dma_semaphore, #tpu.memory_space<semaphore_mem>>
      %dma_start3A_38 = arith.constant 0 : i32
      %dma_start3A_39 = tpu.memref_slice %arg21[%add3A_17, %dma_start3A_38] : memref<10240x32xf32, #tpu.memory_space<vmem_shared>> -> memref<128x32xf32, #tpu.memory_space<vmem_shared>>
      %dma_start3A_40 = arith.constant 0 : i32
      %dma_start3A_41 = tpu.memref_slice %arg21[%add3A_17, %dma_start3A_40] : memref<10240x32xf32, #tpu.memory_space<vmem_shared>> -> memref<128x32xf32, #tpu.memory_space<vmem_shared>>
      tpu.enqueue_dma source(%arg17 : memref<128x32xf32, #tpu.memory_space<vmem>>) target(%dma_start3A_41 : memref<128x32xf32, #tpu.memory_space<vmem_shared>>) target_semaphore(%run_scoped3A : memref<!tpu.dma_semaphore, #tpu.memory_space<semaphore_mem>>)
      %dma_wait3A = arith.constant 0 : i32
      %dma_wait3A_42 = tpu.memref_slice %arg21[%add3A_17, %dma_wait3A] : memref<10240x32xf32, #tpu.memory_space<vmem_shared>> -> memref<128x32xf32, #tpu.memory_space<vmem_shared>>
      %dma_wait3A_43 = arith.constant 0 : i32
      %dma_wait3A_44 = tpu.memref_slice %arg21[%add3A_17, %dma_wait3A_43] : memref<10240x32xf32, #tpu.memory_space<vmem_shared>> -> memref<128x32xf32, #tpu.memory_space<vmem_shared>>
      tpu.wait_dma2 semaphore(%run_scoped3A : memref<!tpu.dma_semaphore, #tpu.memory_space<semaphore_mem>>) src(%arg17 : memref<128x32xf32, #tpu.memory_space<vmem>>) dst(%dma_wait3A_44 : memref<128x32xf32, #tpu.memory_space<vmem_shared>>)
      tpu.yield
    }) : () -> ()
    %barrier3A = arith.constant 0 : index
    tpu.barrier barrier_id(%barrier3A)
    "tpu.region"() ({
      %run_scoped3A = tpu.sem_alloc : memref<!tpu.dma_semaphore, #tpu.memory_space<semaphore_mem>>
      %dma_start3A_38 = arith.constant 0 : i32
      %dma_start3A_39 = arith.constant 0 : i32
      %dma_start3A_40 = tpu.memref_slice %arg2[%add3A, %dma_start3A_38, %dma_start3A_39] : memref<32x84x128xi32, #tpu.memory_space<hbm>> -> memref<1x84x128xi32, #tpu.memory_space<hbm>>
      %dma_start3A_41 = tpu.memref_squeeze %dma_start3A_40 : memref<1x84x128xi32, #tpu.memory_space<hbm>> -> memref<84x128xi32, #tpu.memory_space<hbm>>
      %dma_start3A_42 = arith.constant 0 : i32
      %dma_start3A_43 = arith.constant 0 : i32
      %dma_start3A_44 = tpu.memref_slice %arg2[%add3A, %dma_start3A_42, %dma_start3A_43] : memref<32x84x128xi32, #tpu.memory_space<hbm>> -> memref<1x84x128xi32, #tpu.memory_space<hbm>>
      %dma_start3A_45 = tpu.memref_squeeze %dma_start3A_44 : memref<1x84x128xi32, #tpu.memory_space<hbm>> -> memref<84x128xi32, #tpu.memory_space<hbm>>
      tpu.enqueue_dma source(%dma_start3A_45 : memref<84x128xi32, #tpu.memory_space<hbm>>) target(%arg7 : memref<84x128xi32, #tpu.memory_space<vmem>>) target_semaphore(%run_scoped3A : memref<!tpu.dma_semaphore, #tpu.memory_space<semaphore_mem>>)
      %dma_wait3A = arith.constant 0 : i32
      %dma_wait3A_46 = arith.constant 0 : i32
      %dma_wait3A_47 = tpu.memref_slice %arg2[%add3A, %dma_wait3A, %dma_wait3A_46] : memref<32x84x128xi32, #tpu.memory_space<hbm>> -> memref<1x84x128xi32, #tpu.memory_space<hbm>>
      %dma_wait3A_48 = tpu.memref_squeeze %dma_wait3A_47 : memref<1x84x128xi32, #tpu.memory_space<hbm>> -> memref<84x128xi32, #tpu.memory_space<hbm>>
      %dma_wait3A_49 = arith.constant 0 : i32
      %dma_wait3A_50 = arith.constant 0 : i32
      %dma_wait3A_51 = tpu.memref_slice %arg2[%add3A, %dma_wait3A_49, %dma_wait3A_50] : memref<32x84x128xi32, #tpu.memory_space<hbm>> -> memref<1x84x128xi32, #tpu.memory_space<hbm>>
      %dma_wait3A_52 = tpu.memref_squeeze %dma_wait3A_51 : memref<1x84x128xi32, #tpu.memory_space<hbm>> -> memref<84x128xi32, #tpu.memory_space<hbm>>
      tpu.wait_dma2 semaphore(%run_scoped3A : memref<!tpu.dma_semaphore, #tpu.memory_space<semaphore_mem>>) src(%dma_wait3A_52 : memref<84x128xi32, #tpu.memory_space<hbm>>) dst(%arg7 : memref<84x128xi32, #tpu.memory_space<vmem>>)
      tpu.yield
    }) : () -> ()
    "tpu.region"() ({
      %run_scoped3A = tpu.sem_alloc : memref<!tpu.dma_semaphore, #tpu.memory_space<semaphore_mem>>
      %dma_start3A_38 = arith.constant 0 : i32
      %dma_start3A_39 = arith.constant 0 : i32
      %dma_start3A_40 = tpu.memref_slice %arg3[%add3A, %dma_start3A_38, %dma_start3A_39] : memref<32x84x128xi32, #tpu.memory_space<hbm>> -> memref<1x84x128xi32, #tpu.memory_space<hbm>>
      %dma_start3A_41 = tpu.memref_squeeze %dma_start3A_40 : memref<1x84x128xi32, #tpu.memory_space<hbm>> -> memref<84x128xi32, #tpu.memory_space<hbm>>
      %dma_start3A_42 = arith.constant 0 : i32
      %dma_start3A_43 = arith.constant 0 : i32
      %dma_start3A_44 = tpu.memref_slice %arg3[%add3A, %dma_start3A_42, %dma_start3A_43] : memref<32x84x128xi32, #tpu.memory_space<hbm>> -> memref<1x84x128xi32, #tpu.memory_space<hbm>>
      %dma_start3A_45 = tpu.memref_squeeze %dma_start3A_44 : memref<1x84x128xi32, #tpu.memory_space<hbm>> -> memref<84x128xi32, #tpu.memory_space<hbm>>
      tpu.enqueue_dma source(%dma_start3A_45 : memref<84x128xi32, #tpu.memory_space<hbm>>) target(%arg8 : memref<84x128xi32, #tpu.memory_space<vmem>>) target_semaphore(%run_scoped3A : memref<!tpu.dma_semaphore, #tpu.memory_space<semaphore_mem>>)
      %dma_wait3A = arith.constant 0 : i32
      %dma_wait3A_46 = arith.constant 0 : i32
      %dma_wait3A_47 = tpu.memref_slice %arg3[%add3A, %dma_wait3A, %dma_wait3A_46] : memref<32x84x128xi32, #tpu.memory_space<hbm>> -> memref<1x84x128xi32, #tpu.memory_space<hbm>>
      %dma_wait3A_48 = tpu.memref_squeeze %dma_wait3A_47 : memref<1x84x128xi32, #tpu.memory_space<hbm>> -> memref<84x128xi32, #tpu.memory_space<hbm>>
      %dma_wait3A_49 = arith.constant 0 : i32
      %dma_wait3A_50 = arith.constant 0 : i32
      %dma_wait3A_51 = tpu.memref_slice %arg3[%add3A, %dma_wait3A_49, %dma_wait3A_50] : memref<32x84x128xi32, #tpu.memory_space<hbm>> -> memref<1x84x128xi32, #tpu.memory_space<hbm>>
      %dma_wait3A_52 = tpu.memref_squeeze %dma_wait3A_51 : memref<1x84x128xi32, #tpu.memory_space<hbm>> -> memref<84x128xi32, #tpu.memory_space<hbm>>
      tpu.wait_dma2 semaphore(%run_scoped3A : memref<!tpu.dma_semaphore, #tpu.memory_space<semaphore_mem>>) src(%dma_wait3A_52 : memref<84x128xi32, #tpu.memory_space<hbm>>) dst(%arg8 : memref<84x128xi32, #tpu.memory_space<vmem>>)
      tpu.yield
    }) : () -> ()
    %dma_start3A = arith.constant 0 : i32
    %dma_start3A_18 = arith.constant 0 : i32
    %dma_start3A_19 = tpu.memref_slice %arg7[%dma_start3A, %dma_start3A_18] : memref<84x128xi32, #tpu.memory_space<vmem>> -> memref<1x128xi32, #tpu.memory_space<vmem>>
    %dma_start3A_20 = tpu.memref_squeeze %dma_start3A_19 : memref<1x128xi32, #tpu.memory_space<vmem>> -> memref<128xi32, #tpu.memory_space<vmem>>
    %dma_start3A_21 = arith.constant 0 : i32
    %dma_start3A_22 = arith.constant 0 : i32
    %dma_start3A_23 = tpu.memref_slice %arg4[%dma_start3A_21, %dma_start3A_22] : memref<10240x32xf32, #tpu.memory_space<hbm>> -> memref<10240x32xf32, #tpu.memory_space<hbm>>
    tpu.enqueue_indirect_dma source(%dma_start3A_23 : memref<10240x32xf32, #tpu.memory_space<hbm>>) target(%arg9 : memref<128x32xf32, #tpu.memory_space<vmem>>) offsets(%dma_start3A_20 : memref<128xi32, #tpu.memory_space<vmem>>) semaphore(%arg22 : memref<!tpu.dma_semaphore, #tpu.memory_space<semaphore_mem>>)
    %dma_start3A_24 = arith.constant 0 : i32
    %dma_start3A_25 = arith.constant 0 : i32
    %dma_start3A_26 = tpu.memref_slice %arg8[%dma_start3A_24, %dma_start3A_25] : memref<84x128xi32, #tpu.memory_space<vmem>> -> memref<1x128xi32, #tpu.memory_space<vmem>>
    %dma_start3A_27 = tpu.memref_squeeze %dma_start3A_26 : memref<1x128xi32, #tpu.memory_space<vmem>> -> memref<128xi32, #tpu.memory_space<vmem>>
    %dma_start3A_28 = arith.constant 0 : i32
    %dma_start3A_29 = arith.constant 0 : i32
    %dma_start3A_30 = tpu.memref_slice %arg5[%dma_start3A_28, %dma_start3A_29] : memref<10240x16xf32, #tpu.memory_space<hbm>> -> memref<10240x16xf32, #tpu.memory_space<hbm>>
    tpu.enqueue_indirect_dma source(%dma_start3A_30 : memref<10240x16xf32, #tpu.memory_space<hbm>>) target(%arg10 : memref<128x16xf32, #tpu.memory_space<vmem>>) offsets(%dma_start3A_27 : memref<128xi32, #tpu.memory_space<vmem>>) semaphore(%arg23 : memref<!tpu.dma_semaphore, #tpu.memory_space<semaphore_mem>>)
    %scan3A_31 = arith.constant 0 : i32
    %scan3A_32 = arith.constant 0 : i32
    %scan3A_33 = arith.constant 42 : i32
    %scan3A_34 = arith.addi %scan3A_32, %scan3A_33 : i32
    %scan3A_35 = arith.constant 1 : i32
    scf.for %scan3A_38 = %scan3A_32 to %scan3A_34 step %scan3A_35  : i32 {
      %mul3A_39 = arith.constant 2 : i32
      %mul3A_40 = arith.muli %mul3A_39, %scan3A_38 : i32
      %add3A_41 = arith.constant 1 : i32
      %add3A_42 = arith.addi %mul3A_40, %add3A_41 : i32
      %dma_start3A_43 = arith.constant 0 : i32
      %dma_start3A_44 = tpu.memref_slice %arg7[%add3A_42, %dma_start3A_43] : memref<84x128xi32, #tpu.memory_space<vmem>> -> memref<1x128xi32, #tpu.memory_space<vmem>>
      %dma_start3A_45 = tpu.memref_squeeze %dma_start3A_44 : memref<1x128xi32, #tpu.memory_space<vmem>> -> memref<128xi32, #tpu.memory_space<vmem>>
      %dma_start3A_46 = arith.constant 0 : i32
      %dma_start3A_47 = arith.constant 0 : i32
      %dma_start3A_48 = tpu.memref_slice %arg4[%dma_start3A_46, %dma_start3A_47] : memref<10240x32xf32, #tpu.memory_space<hbm>> -> memref<10240x32xf32, #tpu.memory_space<hbm>>
      tpu.enqueue_indirect_dma source(%dma_start3A_48 : memref<10240x32xf32, #tpu.memory_space<hbm>>) target(%arg11 : memref<128x32xf32, #tpu.memory_space<vmem>>) offsets(%dma_start3A_45 : memref<128xi32, #tpu.memory_space<vmem>>) semaphore(%arg24 : memref<!tpu.dma_semaphore, #tpu.memory_space<semaphore_mem>>)
      %dma_start3A_49 = arith.constant 0 : i32
      %dma_start3A_50 = tpu.memref_slice %arg8[%add3A_42, %dma_start3A_49] : memref<84x128xi32, #tpu.memory_space<vmem>> -> memref<1x128xi32, #tpu.memory_space<vmem>>
      %dma_start3A_51 = tpu.memref_squeeze %dma_start3A_50 : memref<1x128xi32, #tpu.memory_space<vmem>> -> memref<128xi32, #tpu.memory_space<vmem>>
      %dma_start3A_52 = arith.constant 0 : i32
      %dma_start3A_53 = arith.constant 0 : i32
      %dma_start3A_54 = tpu.memref_slice %arg5[%dma_start3A_52, %dma_start3A_53] : memref<10240x16xf32, #tpu.memory_space<hbm>> -> memref<10240x16xf32, #tpu.memory_space<hbm>>
      tpu.enqueue_indirect_dma source(%dma_start3A_54 : memref<10240x16xf32, #tpu.memory_space<hbm>>) target(%arg12 : memref<128x16xf32, #tpu.memory_space<vmem>>) offsets(%dma_start3A_51 : memref<128xi32, #tpu.memory_space<vmem>>) semaphore(%arg25 : memref<!tpu.dma_semaphore, #tpu.memory_space<semaphore_mem>>)
      %dma_wait3A = arith.constant 0 : i32
      %dma_wait3A_55 = arith.constant 0 : i32
      %dma_wait3A_56 = tpu.memref_slice %arg7[%dma_wait3A, %dma_wait3A_55] : memref<84x128xi32, #tpu.memory_space<vmem>> -> memref<1x128xi32, #tpu.memory_space<vmem>>
      %dma_wait3A_57 = tpu.memref_squeeze %dma_wait3A_56 : memref<1x128xi32, #tpu.memory_space<vmem>> -> memref<128xi32, #tpu.memory_space<vmem>>
      %dma_wait3A_58 = arith.constant 0 : i32
      %dma_wait3A_59 = arith.constant 0 : i32
      %dma_wait3A_60 = tpu.memref_slice %arg4[%dma_wait3A_58, %dma_wait3A_59] : memref<10240x32xf32, #tpu.memory_space<hbm>> -> memref<10240x32xf32, #tpu.memory_space<hbm>>
      tpu.wait_indirect_dma semaphore(%arg22 : memref<!tpu.dma_semaphore, #tpu.memory_space<semaphore_mem>>) src(%dma_wait3A_60 : memref<10240x32xf32, #tpu.memory_space<hbm>>) dst(%arg9 : memref<128x32xf32, #tpu.memory_space<vmem>>)
      %dma_wait3A_61 = arith.constant 0 : i32
      %dma_wait3A_62 = arith.constant 0 : i32
      %dma_wait3A_63 = tpu.memref_slice %arg8[%dma_wait3A_61, %dma_wait3A_62] : memref<84x128xi32, #tpu.memory_space<vmem>> -> memref<1x128xi32, #tpu.memory_space<vmem>>
      %dma_wait3A_64 = tpu.memref_squeeze %dma_wait3A_63 : memref<1x128xi32, #tpu.memory_space<vmem>> -> memref<128xi32, #tpu.memory_space<vmem>>
      %dma_wait3A_65 = arith.constant 0 : i32
      %dma_wait3A_66 = arith.constant 0 : i32
      %dma_wait3A_67 = tpu.memref_slice %arg5[%dma_wait3A_65, %dma_wait3A_66] : memref<10240x16xf32, #tpu.memory_space<hbm>> -> memref<10240x16xf32, #tpu.memory_space<hbm>>
      tpu.wait_indirect_dma semaphore(%arg23 : memref<!tpu.dma_semaphore, #tpu.memory_space<semaphore_mem>>) src(%dma_wait3A_67 : memref<10240x16xf32, #tpu.memory_space<hbm>>) dst(%arg10 : memref<128x16xf32, #tpu.memory_space<vmem>>)
      %dma_start3A_68 = arith.constant 0 : i32
      %dma_start3A_69 = tpu.memref_slice %arg8[%mul3A_40, %dma_start3A_68] : memref<84x128xi32, #tpu.memory_space<vmem>> -> memref<1x128xi32, #tpu.memory_space<vmem>>
      %dma_start3A_70 = tpu.memref_squeeze %dma_start3A_69 : memref<1x128xi32, #tpu.memory_space<vmem>> -> memref<128xi32, #tpu.memory_space<vmem>>
      %dma_start3A_71 = arith.constant 0 : i32
      %dma_start3A_72 = arith.constant 0 : i32
      %dma_start3A_73 = tpu.memref_slice %arg21[%dma_start3A_71, %dma_start3A_72] : memref<10240x32xf32, #tpu.memory_space<vmem_shared>> -> memref<10240x32xf32, #tpu.memory_space<vmem_shared>>
      tpu.enqueue_indirect_dma source(%arg17 : memref<128x32xf32, #tpu.memory_space<vmem>>) target(%dma_start3A_73 : memref<10240x32xf32, #tpu.memory_space<vmem_shared>>) offsets(%dma_start3A_70 : memref<128xi32, #tpu.memory_space<vmem>>) semaphore(%arg30 : memref<!tpu.dma_semaphore, #tpu.memory_space<semaphore_mem>>) {add = true}
      %dma_wait3A_74 = arith.constant 0 : i32
      %dma_wait3A_75 = tpu.memref_slice %arg8[%mul3A_40, %dma_wait3A_74] : memref<84x128xi32, #tpu.memory_space<vmem>> -> memref<1x128xi32, #tpu.memory_space<vmem>>
      %dma_wait3A_76 = tpu.memref_squeeze %dma_wait3A_75 : memref<1x128xi32, #tpu.memory_space<vmem>> -> memref<128xi32, #tpu.memory_space<vmem>>
      %dma_wait3A_77 = arith.constant 0 : i32
      %dma_wait3A_78 = arith.constant 0 : i32
      %dma_wait3A_79 = tpu.memref_slice %arg21[%dma_wait3A_77, %dma_wait3A_78] : memref<10240x32xf32, #tpu.memory_space<vmem_shared>> -> memref<10240x32xf32, #tpu.memory_space<vmem_shared>>
      tpu.wait_indirect_dma semaphore(%arg30 : memref<!tpu.dma_semaphore, #tpu.memory_space<semaphore_mem>>) src(%arg17 : memref<128x32xf32, #tpu.memory_space<vmem>>) dst(%dma_wait3A_79 : memref<10240x32xf32, #tpu.memory_space<vmem_shared>>)
      %add3A_80 = arith.constant 1 : i32
      %add3A_81 = arith.addi %add3A_42, %add3A_80 : i32
      %lt3A = arith.constant 84 : i32
      %lt3A_82 = arith.cmpi slt, %add3A_81, %lt3A : i32
      %convert_element_type3A = arith.extui %lt3A_82 : i1 to i32
      %cond3A = arith.constant 0 : i32
      %cond3A_83 = arith.cmpi ne, %convert_element_type3A, %cond3A : i32
      scf.if %cond3A_83 {
        %add3A_110 = arith.constant 1 : i32
        %add3A_111 = arith.addi %add3A_42, %add3A_110 : i32
        %dma_start3A_112 = arith.constant 0 : i32
        %dma_start3A_113 = tpu.memref_slice %arg7[%add3A_111, %dma_start3A_112] : memref<84x128xi32, #tpu.memory_space<vmem>> -> memref<1x128xi32, #tpu.memory_space<vmem>>
        %dma_start3A_114 = tpu.memref_squeeze %dma_start3A_113 : memref<1x128xi32, #tpu.memory_space<vmem>> -> memref<128xi32, #tpu.memory_space<vmem>>
        %dma_start3A_115 = arith.constant 0 : i32
        %dma_start3A_116 = arith.constant 0 : i32
        %dma_start3A_117 = tpu.memref_slice %arg4[%dma_start3A_115, %dma_start3A_116] : memref<10240x32xf32, #tpu.memory_space<hbm>> -> memref<10240x32xf32, #tpu.memory_space<hbm>>
        tpu.enqueue_indirect_dma source(%dma_start3A_117 : memref<10240x32xf32, #tpu.memory_space<hbm>>) target(%arg9 : memref<128x32xf32, #tpu.memory_space<vmem>>) offsets(%dma_start3A_114 : memref<128xi32, #tpu.memory_space<vmem>>) semaphore(%arg22 : memref<!tpu.dma_semaphore, #tpu.memory_space<semaphore_mem>>)
        %dma_start3A_118 = arith.constant 0 : i32
        %dma_start3A_119 = tpu.memref_slice %arg8[%add3A_111, %dma_start3A_118] : memref<84x128xi32, #tpu.memory_space<vmem>> -> memref<1x128xi32, #tpu.memory_space<vmem>>
        %dma_start3A_120 = tpu.memref_squeeze %dma_start3A_119 : memref<1x128xi32, #tpu.memory_space<vmem>> -> memref<128xi32, #tpu.memory_space<vmem>>
        %dma_start3A_121 = arith.constant 0 : i32
        %dma_start3A_122 = arith.constant 0 : i32
        %dma_start3A_123 = tpu.memref_slice %arg5[%dma_start3A_121, %dma_start3A_122] : memref<10240x16xf32, #tpu.memory_space<hbm>> -> memref<10240x16xf32, #tpu.memory_space<hbm>>
        tpu.enqueue_indirect_dma source(%dma_start3A_123 : memref<10240x16xf32, #tpu.memory_space<hbm>>) target(%arg10 : memref<128x16xf32, #tpu.memory_space<vmem>>) offsets(%dma_start3A_120 : memref<128xi32, #tpu.memory_space<vmem>>) semaphore(%arg23 : memref<!tpu.dma_semaphore, #tpu.memory_space<semaphore_mem>>)
      } else {
      }
      %dma_wait3A_84 = arith.constant 0 : i32
      %dma_wait3A_85 = arith.constant 0 : i32
      %dma_wait3A_86 = tpu.memref_slice %arg7[%dma_wait3A_84, %dma_wait3A_85] : memref<84x128xi32, #tpu.memory_space<vmem>> -> memref<1x128xi32, #tpu.memory_space<vmem>>
      %dma_wait3A_87 = tpu.memref_squeeze %dma_wait3A_86 : memref<1x128xi32, #tpu.memory_space<vmem>> -> memref<128xi32, #tpu.memory_space<vmem>>
      %dma_wait3A_88 = arith.constant 0 : i32
      %dma_wait3A_89 = arith.constant 0 : i32
      %dma_wait3A_90 = tpu.memref_slice %arg4[%dma_wait3A_88, %dma_wait3A_89] : memref<10240x32xf32, #tpu.memory_space<hbm>> -> memref<10240x32xf32, #tpu.memory_space<hbm>>
      tpu.wait_indirect_dma semaphore(%arg24 : memref<!tpu.dma_semaphore, #tpu.memory_space<semaphore_mem>>) src(%dma_wait3A_90 : memref<10240x32xf32, #tpu.memory_space<hbm>>) dst(%arg11 : memref<128x32xf32, #tpu.memory_space<vmem>>)
      %dma_wait3A_91 = arith.constant 0 : i32
      %dma_wait3A_92 = arith.constant 0 : i32
      %dma_wait3A_93 = tpu.memref_slice %arg8[%dma_wait3A_91, %dma_wait3A_92] : memref<84x128xi32, #tpu.memory_space<vmem>> -> memref<1x128xi32, #tpu.memory_space<vmem>>
      %dma_wait3A_94 = tpu.memref_squeeze %dma_wait3A_93 : memref<1x128xi32, #tpu.memory_space<vmem>> -> memref<128xi32, #tpu.memory_space<vmem>>
      %dma_wait3A_95 = arith.constant 0 : i32
      %dma_wait3A_96 = arith.constant 0 : i32
      %dma_wait3A_97 = tpu.memref_slice %arg5[%dma_wait3A_95, %dma_wait3A_96] : memref<10240x16xf32, #tpu.memory_space<hbm>> -> memref<10240x16xf32, #tpu.memory_space<hbm>>
      tpu.wait_indirect_dma semaphore(%arg25 : memref<!tpu.dma_semaphore, #tpu.memory_space<semaphore_mem>>) src(%dma_wait3A_97 : memref<10240x16xf32, #tpu.memory_space<hbm>>) dst(%arg12 : memref<128x16xf32, #tpu.memory_space<vmem>>)
      %dma_start3A_98 = arith.constant 0 : i32
      %dma_start3A_99 = tpu.memref_slice %arg8[%add3A_42, %dma_start3A_98] : memref<84x128xi32, #tpu.memory_space<vmem>> -> memref<1x128xi32, #tpu.memory_space<vmem>>
      %dma_start3A_100 = tpu.memref_squeeze %dma_start3A_99 : memref<1x128xi32, #tpu.memory_space<vmem>> -> memref<128xi32, #tpu.memory_space<vmem>>
      %dma_start3A_101 = arith.constant 0 : i32
      %dma_start3A_102 = arith.constant 0 : i32
      %dma_start3A_103 = tpu.memref_slice %arg21[%dma_start3A_101, %dma_start3A_102] : memref<10240x32xf32, #tpu.memory_space<vmem_shared>> -> memref<10240x32xf32, #tpu.memory_space<vmem_shared>>
      tpu.enqueue_indirect_dma source(%arg18 : memref<128x32xf32, #tpu.memory_space<vmem>>) target(%dma_start3A_103 : memref<10240x32xf32, #tpu.memory_space<vmem_shared>>) offsets(%dma_start3A_100 : memref<128xi32, #tpu.memory_space<vmem>>) semaphore(%arg31 : memref<!tpu.dma_semaphore, #tpu.memory_space<semaphore_mem>>) {add = true}
      %dma_wait3A_104 = arith.constant 0 : i32
      %dma_wait3A_105 = tpu.memref_slice %arg8[%add3A_42, %dma_wait3A_104] : memref<84x128xi32, #tpu.memory_space<vmem>> -> memref<1x128xi32, #tpu.memory_space<vmem>>
      %dma_wait3A_106 = tpu.memref_squeeze %dma_wait3A_105 : memref<1x128xi32, #tpu.memory_space<vmem>> -> memref<128xi32, #tpu.memory_space<vmem>>
      %dma_wait3A_107 = arith.constant 0 : i32
      %dma_wait3A_108 = arith.constant 0 : i32
      %dma_wait3A_109 = tpu.memref_slice %arg21[%dma_wait3A_107, %dma_wait3A_108] : memref<10240x32xf32, #tpu.memory_space<vmem_shared>> -> memref<10240x32xf32, #tpu.memory_space<vmem_shared>>
      tpu.wait_indirect_dma semaphore(%arg31 : memref<!tpu.dma_semaphore, #tpu.memory_space<semaphore_mem>>) src(%arg18 : memref<128x32xf32, #tpu.memory_space<vmem>>) dst(%dma_wait3A_109 : memref<10240x32xf32, #tpu.memory_space<vmem_shared>>)
    }
    %scan3A_36 = arith.constant 42 : i32
    %barrier3A_37 = arith.constant 0 : index
    tpu.barrier barrier_id(%barrier3A_37)
    "tpu.region"() ({
      %run_scoped3A = tpu.sem_alloc : memref<!tpu.dma_semaphore, #tpu.memory_space<semaphore_mem>>
      %dma_start3A_38 = arith.constant 0 : i32
      %dma_start3A_39 = tpu.memref_slice %arg6[%arg0, %mul3A_7, %dma_start3A_38] : memref<2x10240x32xf32, #tpu.memory_space<hbm>> -> memref<1x640x32xf32, #tpu.memory_space<hbm>>
      %dma_start3A_40 = tpu.memref_squeeze %dma_start3A_39 : memref<1x640x32xf32, #tpu.memory_space<hbm>> -> memref<640x32xf32, #tpu.memory_space<hbm>>
      %dma_start3A_41 = arith.constant 0 : i32
      %dma_start3A_42 = tpu.memref_slice %arg21[%mul3A_7, %dma_start3A_41] : memref<10240x32xf32, #tpu.memory_space<vmem_shared>> -> memref<640x32xf32, #tpu.memory_space<vmem_shared>>
      tpu.enqueue_dma source(%dma_start3A_42 : memref<640x32xf32, #tpu.memory_space<vmem_shared>>) target(%dma_start3A_40 : memref<640x32xf32, #tpu.memory_space<hbm>>) target_semaphore(%run_scoped3A : memref<!tpu.dma_semaphore, #tpu.memory_space<semaphore_mem>>)
      %dma_wait3A = arith.constant 0 : i32
      %dma_wait3A_43 = tpu.memref_slice %arg6[%arg0, %mul3A_7, %dma_wait3A] : memref<2x10240x32xf32, #tpu.memory_space<hbm>> -> memref<1x640x32xf32, #tpu.memory_space<hbm>>
      %dma_wait3A_44 = tpu.memref_squeeze %dma_wait3A_43 : memref<1x640x32xf32, #tpu.memory_space<hbm>> -> memref<640x32xf32, #tpu.memory_space<hbm>>
      %dma_wait3A_45 = arith.constant 0 : i32
      %dma_wait3A_46 = tpu.memref_slice %arg21[%mul3A_7, %dma_wait3A_45] : memref<10240x32xf32, #tpu.memory_space<vmem_shared>> -> memref<640x32xf32, #tpu.memory_space<vmem_shared>>
      tpu.wait_dma2 semaphore(%run_scoped3A : memref<!tpu.dma_semaphore, #tpu.memory_space<semaphore_mem>>) src(%dma_wait3A_46 : memref<640x32xf32, #tpu.memory_space<vmem_shared>>) dst(%dma_wait3A_44 : memref<640x32xf32, #tpu.memory_space<hbm>>)
      tpu.yield
    }) : () -> ()
    return
  }
}

module attributes {stable_mosaic.version = 14 : i64} {
  func.func @_prep_body(%arg0: memref<10000x128xf32, #tpu.memory_space<vmem>>, %arg1: memref<128x16xf32, #tpu.memory_space<vmem>>, %arg2: memref<1x16xf32, #tpu.memory_space<vmem>>, %arg3: memref<10240x32xf32, #tpu.memory_space<vmem>>, %arg4: memref<10240x16xf32, #tpu.memory_space<vmem>>) attributes {dimension_semantics = [], scalar_prefetch = 0 : i64, scratch_operands = 0 : i64, tpu.core_type = #tpu.core_type<tc>} {
    %get3A = arith.constant 0 : index
    %get3A_0 = arith.constant 0 : index
    %get3A_1 = vector.load %arg0[%get3A, %get3A_0] : memref<10000x128xf32, #tpu.memory_space<vmem>>, vector<10000x128xf32>
    %get3A_2 = arith.constant 0 : index
    %get3A_3 = arith.constant 0 : index
    %get3A_4 = vector.load %arg1[%get3A_2, %get3A_3] : memref<128x16xf32, #tpu.memory_space<vmem>>, vector<128x16xf32>
    %dot_general3A = arith.constant dense<0.000000e+00> : vector<10000x16xf32>
    %dot_general3A_5 = tpu.matmul %get3A_1, %get3A_4, %dot_general3A {dimension_numbers = #tpu.dot_dimension_numbers<[1], [0], [0], [1], [0, 0, 1, 1], [], []>, transpose_lhs_hint = false} : vector<10000x128xf32>, vector<128x16xf32>, vector<10000x16xf32> -> vector<10000x16xf32>
    %get3A_6 = arith.constant 0 : index
    %get3A_7 = arith.constant 0 : index
    %get3A_8 = vector.load %arg2[%get3A_6, %get3A_7] : memref<1x16xf32, #tpu.memory_space<vmem>>, vector<1x16xf32>
    %add3A = vector.broadcast %get3A_8 : vector<1x16xf32> to vector<10000x16xf32>
    %add3A_9 = arith.addf %dot_general3A_5, %add3A : vector<10000x16xf32>
    %max3A = arith.constant 0.000000e+00 : f32
    %max3A_10 = vector.broadcast %max3A : f32 to vector<10000x16xf32>
    %max3A_11 = arith.maximumf %add3A_9, %max3A_10 : vector<10000x16xf32>
    %mul3A = arith.mulf %max3A_11, %max3A_11 : vector<10000x16xf32>
    %reduce_sum3A = arith.constant dense<0.000000e+00> : vector<10000xf32>
    %reduce_sum3A_12 = vector.multi_reduction <add>, %mul3A, %reduce_sum3A [1] : vector<10000x16xf32> to vector<10000xf32>
    %broadcast_in_dim3A = vector.shape_cast %reduce_sum3A_12 : vector<10000xf32> to vector<10000x1xf32>
    %sqrt3A = math.sqrt %broadcast_in_dim3A : vector<10000x1xf32>
    %max3A_13 = arith.constant 9.99999996E-13 : f32
    %max3A_14 = vector.broadcast %max3A_13 : f32 to vector<10000x1xf32>
    %max3A_15 = arith.maximumf %sqrt3A, %max3A_14 : vector<10000x1xf32>
    %div3A = vector.broadcast %max3A_15 : vector<10000x1xf32> to vector<10000x16xf32>
    %div3A_16 = arith.divf %max3A_11, %div3A : vector<10000x16xf32>
    %broadcast_in_dim3A_17 = arith.constant 0.000000e+00 : f32
    %broadcast_in_dim3A_18 = vector.broadcast %broadcast_in_dim3A_17 : f32 to vector<240x32xf32>
    %broadcast_in_dim3A_19 = arith.constant 0.000000e+00 : f32
    %broadcast_in_dim3A_20 = vector.broadcast %broadcast_in_dim3A_19 : f32 to vector<240x16xf32>
    %concatenate3A = tpu.concatenate %div3A_16, %max3A_11 in 1 : vector<10000x16xf32>, vector<10000x16xf32> -> vector<10000x32xf32>
    %concatenate3A_21 = tpu.concatenate %concatenate3A, %broadcast_in_dim3A_18 in 0 : vector<10000x32xf32>, vector<240x32xf32> -> vector<10240x32xf32>
    %swap3A = arith.constant 0 : index
    %swap3A_22 = arith.constant 0 : index
    %swap3A_23 = vector.load %arg3[%swap3A, %swap3A_22] : memref<10240x32xf32, #tpu.memory_space<vmem>>, vector<10240x32xf32>
    tpu.vector_store %arg3[%swap3A, %swap3A_22], %concatenate3A_21 {strides = array<i32>} : memref<10240x32xf32, #tpu.memory_space<vmem>>, vector<10240x32xf32>,
    %concatenate3A_24 = tpu.concatenate %div3A_16, %broadcast_in_dim3A_20 in 0 : vector<10000x16xf32>, vector<240x16xf32> -> vector<10240x16xf32>
    %swap3A_25 = arith.constant 0 : index
    %swap3A_26 = arith.constant 0 : index
    %swap3A_27 = vector.load %arg4[%swap3A_25, %swap3A_26] : memref<10240x16xf32, #tpu.memory_space<vmem>>, vector<10240x16xf32>
    tpu.vector_store %arg4[%swap3A_25, %swap3A_26], %concatenate3A_24 {strides = array<i32>} : memref<10240x16xf32, #tpu.memory_space<vmem>>, vector<10240x16xf32>,
    return
  }
}

module attributes {stable_mosaic.version = 14 : i64} {
  func.func @_comb_body(%arg0: memref<2x10240x32xf32, #tpu.memory_space<vmem>>, %arg1: memref<1x1xf32, #tpu.memory_space<vmem>>, %arg2: memref<10000x16xf32, #tpu.memory_space<vmem>>, %arg3: memref<10240x32xf32, #tpu.memory_space<vmem>>, %arg4: memref<10240x16xf32, #tpu.memory_space<vmem>>) attributes {dimension_semantics = [], scalar_prefetch = 0 : i64, scratch_operands = 0 : i64, tpu.core_type = #tpu.core_type<tc>} {
    %get3A = arith.constant 0 : index
    %get3A_0 = arith.constant 0 : index
    %get3A_1 = arith.constant 0 : index
    %get3A_2 = vector.load %arg0[%get3A, %get3A_0, %get3A_1] : memref<2x10240x32xf32, #tpu.memory_space<vmem>>, vector<2x10240x32xf32>
    %slice3A = vector.extract_strided_slice %get3A_2 {offsets = [0, 0, 0], sizes = [1, 10000, 16], strides = [1, 1, 1]} : vector<2x10240x32xf32> to vector<1x10000x16xf32>
    %squeeze3A = vector.shape_cast %slice3A : vector<1x10000x16xf32> to vector<10000x16xf32>
    %slice3A_3 = vector.extract_strided_slice %get3A_2 {offsets = [1, 0, 0], sizes = [1, 10000, 16], strides = [1, 1, 1]} : vector<2x10240x32xf32> to vector<1x10000x16xf32>
    %squeeze3A_4 = vector.shape_cast %slice3A_3 : vector<1x10000x16xf32> to vector<10000x16xf32>
    %add3A = arith.addf %squeeze3A, %squeeze3A_4 : vector<10000x16xf32>
    %slice3A_5 = vector.extract_strided_slice %get3A_2 {offsets = [0, 0, 16], sizes = [1, 10000, 1], strides = [1, 1, 1]} : vector<2x10240x32xf32> to vector<1x10000x1xf32>
    %squeeze3A_6 = vector.shape_cast %slice3A_5 : vector<1x10000x1xf32> to vector<10000x1xf32>
    %slice3A_7 = vector.extract_strided_slice %get3A_2 {offsets = [1, 0, 16], sizes = [1, 10000, 1], strides = [1, 1, 1]} : vector<2x10240x32xf32> to vector<1x10000x1xf32>
    %squeeze3A_8 = vector.shape_cast %slice3A_7 : vector<1x10000x1xf32> to vector<10000x1xf32>
    %add3A_9 = arith.addf %squeeze3A_6, %squeeze3A_8 : vector<10000x1xf32>
    %div3A = vector.broadcast %add3A_9 : vector<10000x1xf32> to vector<10000x16xf32>
    %div3A_10 = arith.divf %add3A, %div3A : vector<10000x16xf32>
    %swap3A = arith.constant 0 : index
    %swap3A_11 = arith.constant 0 : index
    %swap3A_12 = vector.load %arg2[%swap3A, %swap3A_11] : memref<10000x16xf32, #tpu.memory_space<vmem>>, vector<10000x16xf32>
    tpu.vector_store %arg2[%swap3A, %swap3A_11], %div3A_10 {strides = array<i32>} : memref<10000x16xf32, #tpu.memory_space<vmem>>, vector<10000x16xf32>,
    %mul3A = arith.mulf %div3A_10, %div3A_10 : vector<10000x16xf32>
    %reduce_sum3A = arith.constant dense<0.000000e+00> : vector<10000xf32>
    %reduce_sum3A_13 = vector.multi_reduction <add>, %mul3A, %reduce_sum3A [1] : vector<10000x16xf32> to vector<10000xf32>
    %broadcast_in_dim3A = vector.shape_cast %reduce_sum3A_13 : vector<10000xf32> to vector<10000x1xf32>
    %sqrt3A = math.sqrt %broadcast_in_dim3A : vector<10000x1xf32>
    %max3A = arith.constant 9.99999996E-13 : f32
    %max3A_14 = vector.broadcast %max3A : f32 to vector<10000x1xf32>
    %max3A_15 = arith.maximumf %sqrt3A, %max3A_14 : vector<10000x1xf32>
    %div3A_16 = vector.broadcast %max3A_15 : vector<10000x1xf32> to vector<10000x16xf32>
    %div3A_17 = arith.divf %div3A_10, %div3A_16 : vector<10000x16xf32>
    %broadcast_in_dim3A_18 = arith.constant 0.000000e+00 : f32
    %broadcast_in_dim3A_19 = vector.broadcast %broadcast_in_dim3A_18 : f32 to vector<240x32xf32>
    %broadcast_in_dim3A_20 = arith.constant 0.000000e+00 : f32
    %broadcast_in_dim3A_21 = vector.broadcast %broadcast_in_dim3A_20 : f32 to vector<240x16xf32>
    %concatenate3A = tpu.concatenate %div3A_17, %div3A_10 in 1 : vector<10000x16xf32>, vector<10000x16xf32> -> vector<10000x32xf32>
    %concatenate3A_22 = tpu.concatenate %concatenate3A, %broadcast_in_dim3A_19 in 0 : vector<10000x32xf32>, vector<240x32xf32> -> vector<10240x32xf32>
    %swap3A_23 = arith.constant 0 : index
    %swap3A_24 = arith.constant 0 : index
    %swap3A_25 = vector.load %arg3[%swap3A_23, %swap3A_24] : memref<10240x32xf32, #tpu.memory_space<vmem>>, vector<10240x32xf32>
    tpu.vector_store %arg3[%swap3A_23, %swap3A_24], %concatenate3A_22 {strides = array<i32>} : memref<10240x32xf32, #tpu.memory_space<vmem>>, vector<10240x32xf32>,
    %get3A_26 = arith.constant 0 : index
    %get3A_27 = arith.constant 0 : index
    %get3A_28 = vector.load %arg1[%get3A_26, %get3A_27] : memref<1x1xf32, #tpu.memory_space<vmem>>, vector<1x1xf32>
    %get3A_29 = vector.extract %get3A_28[0, 0] : f32 from vector<1x1xf32>
    %mul3A_30 = vector.broadcast %get3A_29 : f32 to vector<10000x16xf32>
    %mul3A_31 = arith.mulf %div3A_17, %mul3A_30 : vector<10000x16xf32>
    %concatenate3A_32 = tpu.concatenate %mul3A_31, %broadcast_in_dim3A_21 in 0 : vector<10000x16xf32>, vector<240x16xf32> -> vector<10240x16xf32>
    %swap3A_33 = arith.constant 0 : index
    %swap3A_34 = arith.constant 0 : index
    %swap3A_35 = vector.load %arg4[%swap3A_33, %swap3A_34] : memref<10240x16xf32, #tpu.memory_space<vmem>>, vector<10240x16xf32>
    tpu.vector_store %arg4[%swap3A_33, %swap3A_34], %concatenate3A_32 {strides = array<i32>} : memref<10240x16xf32, #tpu.memory_space<vmem>>, vector<10240x16xf32>,
    return
  }
}

module attributes {stable_mosaic.version = 14 : i64} {
  func.func @_final_body(%arg0: memref<2x10240x32xf32, #tpu.memory_space<vmem>>, %arg1: memref<16x6xf32, #tpu.memory_space<vmem>>, %arg2: memref<1x6xf32, #tpu.memory_space<vmem>>, %arg3: memref<10000x6xf32, #tpu.memory_space<vmem>>) attributes {dimension_semantics = [], scalar_prefetch = 0 : i64, scratch_operands = 0 : i64, tpu.core_type = #tpu.core_type<tc>} {
    %get3A = arith.constant 0 : index
    %get3A_0 = arith.constant 0 : index
    %get3A_1 = arith.constant 0 : index
    %get3A_2 = vector.load %arg0[%get3A, %get3A_0, %get3A_1] : memref<2x10240x32xf32, #tpu.memory_space<vmem>>, vector<2x10240x32xf32>
    %slice3A = vector.extract_strided_slice %get3A_2 {offsets = [0, 0, 0], sizes = [1, 10000, 16], strides = [1, 1, 1]} : vector<2x10240x32xf32> to vector<1x10000x16xf32>
    %squeeze3A = vector.shape_cast %slice3A : vector<1x10000x16xf32> to vector<10000x16xf32>
    %slice3A_3 = vector.extract_strided_slice %get3A_2 {offsets = [1, 0, 0], sizes = [1, 10000, 16], strides = [1, 1, 1]} : vector<2x10240x32xf32> to vector<1x10000x16xf32>
    %squeeze3A_4 = vector.shape_cast %slice3A_3 : vector<1x10000x16xf32> to vector<10000x16xf32>
    %add3A = arith.addf %squeeze3A, %squeeze3A_4 : vector<10000x16xf32>
    %slice3A_5 = vector.extract_strided_slice %get3A_2 {offsets = [0, 0, 16], sizes = [1, 10000, 1], strides = [1, 1, 1]} : vector<2x10240x32xf32> to vector<1x10000x1xf32>
    %squeeze3A_6 = vector.shape_cast %slice3A_5 : vector<1x10000x1xf32> to vector<10000x1xf32>
    %slice3A_7 = vector.extract_strided_slice %get3A_2 {offsets = [1, 0, 16], sizes = [1, 10000, 1], strides = [1, 1, 1]} : vector<2x10240x32xf32> to vector<1x10000x1xf32>
    %squeeze3A_8 = vector.shape_cast %slice3A_7 : vector<1x10000x1xf32> to vector<10000x1xf32>
    %add3A_9 = arith.addf %squeeze3A_6, %squeeze3A_8 : vector<10000x1xf32>
    %div3A = vector.broadcast %add3A_9 : vector<10000x1xf32> to vector<10000x16xf32>
    %div3A_10 = arith.divf %add3A, %div3A : vector<10000x16xf32>
    %get3A_11 = arith.constant 0 : index
    %get3A_12 = arith.constant 0 : index
    %get3A_13 = vector.load %arg1[%get3A_11, %get3A_12] : memref<16x6xf32, #tpu.memory_space<vmem>>, vector<16x6xf32>
    %dot_general3A = arith.constant dense<0.000000e+00> : vector<10000x6xf32>
    %dot_general3A_14 = tpu.matmul %div3A_10, %get3A_13, %dot_general3A {dimension_numbers = #tpu.dot_dimension_numbers<[1], [0], [0], [1], [0, 0, 1, 1], [], []>, transpose_lhs_hint = false} : vector<10000x16xf32>, vector<16x6xf32>, vector<10000x6xf32> -> vector<10000x6xf32>
    %get3A_15 = arith.constant 0 : index
    %get3A_16 = arith.constant 0 : index
    %get3A_17 = vector.load %arg2[%get3A_15, %get3A_16] : memref<1x6xf32, #tpu.memory_space<vmem>>, vector<1x6xf32>
    %add3A_18 = vector.broadcast %get3A_17 : vector<1x6xf32> to vector<10000x6xf32>
    %add3A_19 = arith.addf %dot_general3A_14, %add3A_18 : vector<10000x6xf32>
    %reduce_max3A = arith.constant dense<0xFF800000> : vector<10000xf32>
    %reduce_max3A_20 = vector.multi_reduction <maximumf>, %add3A_19, %reduce_max3A [1] : vector<10000x6xf32> to vector<10000xf32>
    %broadcast_in_dim3A = vector.shape_cast %reduce_max3A_20 : vector<10000xf32> to vector<10000x1xf32>
    %sub3A = vector.broadcast %broadcast_in_dim3A : vector<10000x1xf32> to vector<10000x6xf32>
    %sub3A_21 = arith.subf %add3A_19, %sub3A : vector<10000x6xf32>
    %exp3A = math.exp %sub3A_21 : vector<10000x6xf32>
    %reduce_sum3A = arith.constant dense<0.000000e+00> : vector<10000xf32>
    %reduce_sum3A_22 = vector.multi_reduction <add>, %exp3A, %reduce_sum3A [1] : vector<10000x6xf32> to vector<10000xf32>
    %broadcast_in_dim3A_23 = vector.shape_cast %reduce_sum3A_22 : vector<10000xf32> to vector<10000x1xf32>
    %log3A = math.log %broadcast_in_dim3A_23 : vector<10000x1xf32>
    %add3A_24 = arith.addf %log3A, %broadcast_in_dim3A : vector<10000x1xf32>
    %sub3A_25 = vector.broadcast %add3A_24 : vector<10000x1xf32> to vector<10000x6xf32>
    %sub3A_26 = arith.subf %add3A_19, %sub3A_25 : vector<10000x6xf32>
    %swap3A = arith.constant 0 : index
    %swap3A_27 = arith.constant 0 : index
    %swap3A_28 = vector.load %arg3[%swap3A, %swap3A_27] : memref<10000x6xf32, #tpu.memory_space<vmem>>, vector<10000x6xf32>
    tpu.vector_store %arg3[%swap3A, %swap3A_27], %sub3A_26 {strides = array<i32>} : memref<10000x6xf32, #tpu.memory_space<vmem>>, vector<10000x6xf32>,
    return
  }
}

</mosaic_0001>

<sc_bundles>
// kernel: kernel.10.cloned.1.call-start
scs
__scs_entry_jumppad:
0x0: {  	(pc) =	sbr.rel $0x88, $3  }
0x1: {  	(tag) =	ssettag $0x0;
	lr =	simm.s32 $0x1  }
0x2: {  	[smem:$0x3F9A] =	sst lr;
	_ =	strace $0xD0000000  }
0x3: {  	_ = 	snop  }
0x4: {  	_ = 	snop  }
0x5: {  	_ = 	snop  }
0x6: {  	_ = 	snop  }
0x7: {  	_ = 	snop  }
__scs_overlays_trampoline_lowered:
0x8: {  	[smem:$0x3FA9] =	sst s0  }
0x9: {  	[smem:$0x3FAA] =	sst s1  }
0xa: {  	[smem:$0x3FAB] =	sst s2  }
0xb: {  	[smem:$0x3FAC] =	sst s3  }
0xc: {  	[smem:$0x3FAD] =	sst s4  }
0xd: {  	[smem:$0x3FAE] =	sst s5  }
0xe: {  	[smem:$0x3FAF] =	sst s6  }
0xf: {  	[smem:$0x3FB0] =	sst s7  }
0x10: {  	[smem:$0x3FB1] =	sst s8  }
0x11: {  	[smem:$0x3FB2] =	sst s9;
	s0 =	simm.s32 @!p0 $0x0  }
0x12: {  	s1 =	sld [smem:$0x3F98];
	s0 =	simm.s32 @p0 $0x1  }
0x13: {  	[smem:$0x3FB3] =	sst s0;
	s0 =	simm.s32 @!p1 $0x0  }
0x14: {  	s2 =	sld [smem:$0x3F97];
	s0 =	simm.s32 @p1 $0x1  }
0x15: {  	[smem:$0x3FB4] =	sst s0;
	s0 =	simm.s32 @!p2 $0x0  }
0x16: {  	s3 =	sld [smem:$0x3FDB];
	s0 =	simm.s32 @p2 $0x1  }
0x17: {  	s4 =	simm.s32 $0x1BF5;
	[smem:$0x3FB6] =	sst s0  }
0x18: {  	s0 =	sld [smem:$0x3F99];
	_ =	swait.ge [sflag:s4], $0x0  }
0x19: {  	s7 =	sld [smem:$0x3F9A]  }
0x1a: {  	s8 =	sadd.s32 $0xFFFFE003, lr  }
0x1b: {  	s9 =	sadd.s32 $0xFFFFFEF7, lr;
	s5 =	simm.s32 $0xFFFFFFFF;
	p2 =	slt.u32 s8, $0xFFFFF086  }
0x1c: {  	p1 =	slt.u32 s9, $0xF7A;
	s5 =	simm.s32 @!p2 $0x0  }
0x1d: {  	s5 =	simm.s32 @p1 $0x1;
	p0 =	seq.s32 s7, s2  }
0x1e: {  	s7 =	smul.u32 @!p0 $0xF7A, s2;
	p2 =	seq.s32 @!p0 s5, $0x0  }
0x1f: {  	s9 =	smul.u32 $0xF7A, s1;
	s8 =	simm.s32 @!p0 $0x1BF5;
	p2 =	por !p2, p0  }
0x20: {  	[sflag:s8] =	ssyncset.s32 @!p0 $0xFFFFF086;
	s6 =	sadd.s32 @!p0 s3, s7;
	s7 =	simm.s32 @!p0 $0x108  }
0x21: {  	s3 =	sadd.s32 s3, s9;
	s6 =	sadd.s32 @!p0 $0x88, s6;
	s7 =	simm.s32 @p2 $0x1082  }
0x22: {  	[simem:s7], [sflag:s8] =	dma.local @!p0 [hbm:s6], $0xF7A  }
0x23: {  	s9 =	sor.u32 $0xD0000000, s2;
	s6 =	simm.s32 $0x108;
	_ =	swait.ge @!p0 [sflag:s8], $0x0  }
0x24: {  	s3 =	sadd.s32 $0x88, s3;
	s6 =	simm.s32 @!p1 $0x1082;
	[sflag:s4] =	ssyncset.s32 $0xFFFFF086  }
0x25: {  	[simem:s6], [sflag:s4] =	dma.local [hbm:s3], $0xF7A  }
0x26: {  	[smem:$0x3F9A] =	sst s1;
	(tag) =	ssettag s2;
	_ =	strace s9  }
0x27: {  	s1 =	sld [smem:$0x3FAA]  }
0x28: {  	s2 =	sld [smem:$0x3FAB]  }
0x29: {  	s4 =	sld [smem:$0x3FAD]  }
0x2a: {  	p0 =	seq.s32 s5, $0x0;
	s5 =	sld [smem:$0x3FAE]  }
0x2b: {  	s6 =	sld [smem:$0x3FAF]  }
0x2c: {  	s7 =	sld [smem:$0x3FB0]  }
0x2d: {  	s3 =	simm.s32 $0x108;
	s8 =	sld [smem:$0x3FB1]  }
0x2e: {  	s3 =	simm.s32 @!p0 $0x1082;
	s9 =	sld [smem:$0x3FB2]  }
0x2f: {  	lr =	sadd.s32 s0, s3;
	s0 =	sld [smem:$0x3FA9]  }
0x30: {  	s3 =	sld [smem:$0x3FAC]  }
0x31: {  	[smem:$0x3FB5] =	sst s10  }
0x32: {  	s10 =	sld [smem:$0x3FB3];
	_ =	sdelay $0x3  }
0x33: {  	p0 =	seq.s32 s10, $0x1;
	s10 =	sld [smem:$0x3FB5];
	_ =	sdelay $0x3  }
0x34: {  	[smem:$0x3FB5] =	sst s10  }
0x35: {  	s10 =	sld [smem:$0x3FB4];
	_ =	sdelay $0x3  }
0x36: {  	p1 =	seq.s32 s10, $0x1;
	s10 =	sld [smem:$0x3FB5];
	_ =	sdelay $0x3  }
0x37: {  	[smem:$0x3FB5] =	sst s10  }
0x38: {  	s10 =	sld [smem:$0x3FB6]  }
0x39: {  	_ = 	snop;
	(pc) =	sbr.ind lr, $3  }
0x3a: {  	_ = 	snop  }
0x3b: {  	_ = 	snop  }
0x3c: {  	p2 =	seq.s32 s10, $0x1;
	s10 =	sld [smem:$0x3FB5]  }
0x3d: {  	_ =	shalt  }
0x3e: {  	_ =	shalt  }
0x3f: {  	_ =	shalt  }
0x40: {  	_ =	shalt  }
0x41: {  	_ =	shalt  }
0x42: {  	_ =	shalt  }
0x43: {  	_ =	shalt  }
0x44: {  	_ =	shalt  }
0x45: {  	_ =	shalt  }
0x46: {  	_ =	shalt  }
0x47: {  	_ =	shalt  }
0x48: {  	_ =	shalt  }
0x49: {  	_ =	shalt  }
0x4a: {  	_ =	shalt  }
0x4b: {  	_ =	shalt  }
0x4c: {  	_ =	shalt  }
0x4d: {  	_ =	shalt  }
0x4e: {  	_ =	shalt  }
0x4f: {  	_ =	shalt  }
0x50: {  	_ =	shalt  }
0x51: {  	_ =	shalt  }
0x52: {  	_ =	shalt  }
0x53: {  	_ =	shalt  }
0x54: {  	_ =	shalt  }
0x55: {  	_ =	shalt  }
0x56: {  	_ =	shalt  }
0x57: {  	_ =	shalt  }
0x58: {  	_ =	shalt  }
0x59: {  	_ =	shalt  }
0x5a: {  	_ =	shalt  }
0x5b: {  	_ =	shalt  }
0x5c: {  	_ =	shalt  }
0x5d: {  	_ =	shalt  }
0x5e: {  	_ =	shalt  }
0x5f: {  	_ =	shalt  }
0x60: {  	_ =	shalt  }
0x61: {  	_ =	shalt  }
0x62: {  	_ =	shalt  }
0x63: {  	_ =	shalt  }
0x64: {  	_ =	shalt  }
0x65: {  	_ =	shalt  }
0x66: {  	_ =	shalt  }
0x67: {  	_ =	shalt  }
0x68: {  	_ =	shalt  }
0x69: {  	_ =	shalt  }
0x6a: {  	_ =	shalt  }
0x6b: {  	_ =	shalt  }
0x6c: {  	_ =	shalt  }
0x6d: {  	_ =	shalt  }
0x6e: {  	_ =	shalt  }
0x6f: {  	_ =	shalt  }
0x70: {  	_ =	shalt  }
0x71: {  	_ =	shalt  }
0x72: {  	_ =	shalt  }
0x73: {  	_ =	shalt  }
0x74: {  	_ =	shalt  }
0x75: {  	_ =	shalt  }
0x76: {  	_ =	shalt  }
0x77: {  	_ =	shalt  }
0x78: {  	_ =	shalt  }
0x79: {  	_ =	shalt  }
0x7a: {  	_ =	shalt  }
0x7b: {  	_ =	shalt  }
0x7c: {  	_ =	shalt  }
0x7d: {  	_ =	shalt  }
0x7e: {  	_ =	shalt  }
0x7f: {  	_ =	shalt  }
0x80: {  	_ =	shalt  }
0x81: {  	_ =	shalt  }
0x82: {  	_ =	shalt  }
0x83: {  	_ =	shalt  }
0x84: {  	_ =	shalt  }
0x85: {  	_ =	shalt  }
0x86: {  	_ =	shalt  }
0x87: {  	_ =	shalt  }
.Lfunc_end0:
.L_simem_size_0:
called_computation.1_lowered:
.L_overlay_start_0:
0x88: {  	s2 =	sld [smem:$0x3FD9]  }
0x89: {  	s3 =	sld [smem:$0x3FFE];
	_ =	sdelay $0x1  }
0x8a: {  	s1 =	srdreg.scid  }
0x8b: {  	s0 =	sand.u32 $0x1, s1  }
0x8c: {  	s16 =	sshll.u32 s0, $0xA;
	s2 =	sadd.s32 s3, s2  }
0x8d: {  	s2 =	sadd.s32 s2, s16  }
0x8e: {  	[smem:$0x3FC1] =	sst s2  }
0x8f: {  	_ = 	snop  }
0x90: {  	(tm) =	ssettm $0x1  }
0x91: {  	s17 =	sld [smem:$0x3FFB];
	_ =	sdelay $0x3  }
0x92: {  	_ =	strace s17  }
0x93: {  	s2 =	sld [smem:$0x3FFC];
	_ =	sdelay $0x3  }
0x94: {  	_ =	strace s2  }
0x95: {  	s2 =	sld [smem:$0x3FFD];
	_ =	sdelay $0x3  }
0x96: {  	_ =	strace s2  }
0x97: {  	_ =	strace $0x8FFFFFFF  }
0x98: {  	s18 =	sld [smem:$0x3FDB];
	_ =	sdelay $0x1  }
0x99: {  	s19 =	simm.s32 $_scs_section_size  }
0x9a: {  	s4 =	simm.s32 $_size__tile_overlayer_lowered;
	s5 =	simm.s32 $_tile_overlayer_lowered  }
0x9b: {  	s22 =	simm.s32 $0x1BFF;
	s21 =	sshll.u32 s5, $0x1;
	s2 =	sadd.s32 s19, s18  }
0x9c: {  	s6 =	simm.s32 $0x0;
	s20 =	sshll.u32 s4, $0x1;
	s4 =	sadd.s32 s21, s2  }
0x9d: {  	[timem:s6], [sflag:s22] =	dma.local [hbm:s4], s20  }
0x9e: {  	_ =	swait.ge [sflag:s22], s20  }
0x9f: {  	s3 =	ssub.s32 $0x0, s20;
	[sflag:s22] =	ssyncset.done $0x0  }
0xa0: {  	[sflag:s22] =	ssyncadd.s32 s3;
	_ =	sdelay $0x1  }
0xa1: {  	s23 =	simm.s32 $0x1B8B  }
0xa2: {  	_ =	swait.ge [sflag:s23], $0x1  }
0xa3: {  	[sflag:s23] =	ssyncset.done $0x0  }
0xa4: {  	s25 =	simm.s32 $0x1B8E;
	s24 =	sld [smem:$0x3FFE];
	[sflag:s23] =	ssyncadd.s32 $0xFFFFFFFF  }
0xa5: {  	s26 =	simm.s32 $execute0_lowered;
	[smem:$0x3FD2] =	sst s25  }
0xa6: {  	s4 =	sshll.u32 s26, $0x1;
	_ =	strace $0x80000049;
	[dreg:$0x1] =	wrdreg $0xFFFFFFFF  }
0xa7: {  	s28 =	simm.s32 $_size_execute0_lowered;
	s2 =	sadd.s32 s2, s4;
	[dreg:$0x0] =	wrdreg $0x0  }
0xa8: {  	s4 =	sshll.u32 s28, $0x1;
	[dreg:$0x2] =	wrdreg s2  }
0xa9: {  	[dreg:$0x3] =	wrdreg s4  }
0xaa: {  	[dreg:$0x4] =	wrdreg $0xC0  }
0xab: {  	_ =	task [dreg:s6], $0x5FFFF  }
0xac: {  	[dreg:$0x1] =	wrdreg $0xFFFFFFFF  }
0xad: {  	[dreg:$0x0] =	wrdreg $0x60  }
0xae: {  	[dreg:$0x2] =	wrdreg s24  }
0xaf: {  	[dreg:$0x3] =	wrdreg $0xA4000  }
0xb0: {  	[dreg:$0x4] =	wrdreg $0x9  }
0xb1: {  	_ =	task.clear_ibuf [dreg:s6], $0x5FFFF;
	_ =	strace $0x90000049  }
0xb2: {  	s29 =	simm.s32 $0x9;
	_ =	strace $0x8000004B  }
0xb3: {  	_ =	swait.ge [sflag:s29], $0x1  }
0xb4: {  	[sflag:s29] =	ssyncadd.s32 $0xFFFFFFFF  }
0xb5: {  	_ =	strace $0x9000004B  }
0xb6: {  	_ =	sfence  }
0xb7: {  	s30 =	sld [smem:$0x0];
	_ =	sdelay $0x2  }
0xb8: {  	s31 =	sshll.u32 s1, $0xD;
	s1 =	sshrl.u32 s1, $0x2  }
0xb9: {  	s3 =	sand.u32 $0x4000, s31;
	s1 =	sadd.s32 s1, s30  }
0xba: {  	s0 =	sor.u32 s3, s0;
	s1 =	sshll.u32 s1, $0x11  }
0xbb: {  	s0 =	sor.u32 s1, s0  }
0xbc: {  	s0 =	sadd.s32 $0x8F2B, s0  }
0xbd: {  	[sflag:s0] =	ssyncadd.remote.s32 $0x1  }
0xbe: {  	_ =	sfence.sel $0xFFFF  }
0xbf: {  	[dreg:$0x0] =	wrdreg $0xFFFFFFFF;
	(pc) =	sbr.abs _section_cstart, $3  }
0xc0: {  	[dreg:$0x1] =	wrdreg $0xFFFFFFFF  }
0xc1: {  	_ =	task.clear_ibuf [dreg:s6], $0x2FFFF;
	_ =	strace $0x9FFFFFFF  }
0xc2: {  	(tm) =	ssettm $0x7FFFFFFF  }
0xc3: {  	_ =	shalt  }
tec
execute0_lowered:
.L_overlay_start_1:
0x0: {  	(tag) =	ssettag $0x1  }
0x1: {  	s0 =	srdreg.scid;
	s1 =	rddreg [dreg:$0x0]  }
0x2: {  	s5 =	stileid.u32;
	s2 =	rddreg [dreg:$0x1];
	s15 =	simm.s32 $0x8400  }
0x3: {  	s16 =	simm.s32 $0x7;
	s17 =	simm.s32 $0x2A00;
	s18 =	simm.s32 $0x80  }
0x4: {  	s19 =	simm.s32 $0x5400;
	s20 =	simm.s32 $0x6400;
	s21 =	simm.s32 $0x6C00  }
0x5: {  	s22 =	simm.s32 $0x7C00;
	s23 =	simm.s32 $0x1;
	s24 =	simm.s32 $0x2  }
0x6: {  	s28 =	simm.s32 $0x4;
	s29 =	simm.s32 $0x9400;
	s6 =	smul.u32 $0x5000, s5  }
0x7: {  	s30 =	simm.s32 $0x6;
	s0 =	sand.u32 $0x1, s0;
	s8 =	smul.u32 $0x14000, s5  }
0x8: {  	s3 =	sshll.u32 s0, $0x4;
	s7 =	smul.u32 $0x50000, s0;
	s0 =	ssub.s32 $0x2, s0  }
0x9: {  	s4 =	sor.u32 s5, s3;
	s3 =	simm.s32 $0x0;
	s5 =	sadd.s32 $0x1FE00, s1  }
0xa: {  	s9 =	sshrl.u32 s0, $0x1;
	s8 =	sshrl.u32 s8, $0x2;
	s4 =	smul.u32 $0x540, s4  }
0xb: {  	[smem:$0x7FF] =	sst s3;
	s7 =	sadd.s32 s6, s7;
	s0 =	ssub.s32 s0, s9  }
0xc: {  	s10 =	sadd.s32 s8, s2;
	s6 =	sadd.s32 s6, s2;
	_ =	strace $0x8000004A  }
0xd: {  	s7 =	sshrl.u32 s7, $0x3;
	s25 =	sadd.s32 $0x1000, s10;
	s26 =	sadd.s32 $0x2000, s10  }
0xe: {  	s31 =	sadd.s32 $0x3000, s10;
	s10 =	sadd.s32 $0x4000, s10;
	[dreg:$0x3] =	wrdreg s25  }
0xf: {  	s14 =	smax.u32 s0, $0x1;
	s12 =	sadd.s32 s4, s1;
	[dreg:$0x4] =	wrdreg s26  }
0x10: {  	s4 =	sadd.s32 $0x15E00, s1;
	s1 =	sadd.s32 s7, s1;
	[dreg:$0x5] =	wrdreg s31  }
0x11: {  	s25 =	simm.s32 $0x5;
	s26 =	simm.s32 $0x3;
	s11 =	sadd.s32 $0xB600, s12  }
0x12: {  	v0 =	vimm.f32 $0.0e+00;
	s12 =	sadd.s32 $0xE00, s12;
	s13 =	sadd.s32 $0x24E00, s1;
	s1 =	simm.s32 $0x5380  }
.LBB2_1:
0x13: {  	s31 =	simm.s32 $0x80;
	s0 =	simm.s32 $0x0  }
.LBB2_2:
0x14: {  	p0 =	sne.s32 s31, $0x3F80;
	[tilespmem:s0+$0x8400] =	vst v0;
	s7 =	smov.u32 s31;
	s31 =	sadd.s32 $0x80, s31  }
.Ltmp0:
0x15: {  	[tilespmem:s0+$0x8410] =	vst v0;
	(pc) =	sbr.rel @p0 .LBB2_2-.Ltmp0, $2  }
0x16: {  	_ =	sdelay $0x2  }
0x17: {  	s0 =	sshra.s32 s7, $0x2  }
0x18: {  	[tilespmem:s0+$0x8400] =	vst v0  }
0x19: {  	[tilespmem:s0+$0x8410] =	vst v0  }
0x1a: {  	[spmem:s6] =	stream.linear.scatter [tilespmem:s15], [sflag:$0x7], $0x1000, $0x38;
	[tilespmem:$0xF400] =	vst v63  }
0x1b: {  	_ =	swait.ge [sflag:s16], $0x1000  }
0x1c: {  	[sflag:s16] =	ssyncset.done $0x0  }
0x1d: {  	s9 =	rddreg [dreg:$0x3];
	[sflag:s16] =	ssyncadd.s32 $0xFFFFF000  }
0x1e: {  	[spmem:s9] =	stream.linear.scatter [tilespmem:s15], [sflag:$0x7], $0x1000, $0x38;
	[tilespmem:$0xF400] =	vst v63  }
0x1f: {  	_ =	swait.ge [sflag:s16], $0x1000  }
0x20: {  	[sflag:s16] =	ssyncset.done $0x0  }
0x21: {  	s7 =	rddreg [dreg:$0x4];
	[sflag:s16] =	ssyncadd.s32 $0xFFFFF000  }
0x22: {  	[spmem:s7] =	stream.linear.scatter [tilespmem:s15], [sflag:$0x7], $0x1000, $0x38;
	[tilespmem:$0xF400] =	vst v63  }
0x23: {  	_ =	swait.ge [sflag:s16], $0x1000  }
0x24: {  	[sflag:s16] =	ssyncset.done $0x0  }
0x25: {  	s8 =	rddreg [dreg:$0x5];
	[sflag:s16] =	ssyncadd.s32 $0xFFFFF000  }
0x26: {  	[spmem:s8] =	stream.linear.scatter [tilespmem:s15], [sflag:$0x7], $0x1000, $0x38;
	[tilespmem:$0xF400] =	vst v63  }
0x27: {  	_ =	swait.ge [sflag:s16], $0x1000  }
0x28: {  	[sflag:s16] =	ssyncset.done $0x0  }
0x29: {  	[sflag:s16] =	ssyncadd.s32 $0xFFFFF000  }
0x2a: {  	[spmem:s10] =	stream.linear.scatter [tilespmem:s15], [sflag:$0x7], $0x1000, $0x38;
	[tilespmem:$0xF400] =	vst v63  }
0x2b: {  	_ =	swait.ge [sflag:s16], $0x1000  }
0x2c: {  	[sflag:s16] =	ssyncset.done $0x0  }
0x2d: {  	[sflag:s16] =	ssyncadd.s32 $0xFFFFF000  }
0x2e: {  	s9 =	simm.s32 $0x0;
	[bflag:$0x0] =	sbarrier.arrive $0xFFFF  }
0x2f: {  	[tilespmem:s9], [sflag:$0x7] =	stream.linear.gather [hbm4b:s11+s9], $0x2A00, $0x38;
	[tilespmem:$0xF400] =	vst v63  }
0x30: {  	_ =	swait.ge [sflag:s16], $0x2A00  }
0x31: {  	[sflag:s16] =	ssyncset.done $0x0  }
0x32: {  	[sflag:s16] =	ssyncadd.s32 $0xFFFFD600  }
0x33: {  	[tilespmem:s17], [sflag:$0x7] =	stream.linear.gather [hbm4b:s12+s9], $0x2A00, $0x38;
	[tilespmem:$0xF400] =	vst v63  }
0x34: {  	_ =	swait.ge [sflag:s16], $0x2A00  }
0x35: {  	[sflag:s16] =	ssyncset.done $0x0  }
0x36: {  	[sflag:s16] =	ssyncadd.s32 $0xFFFFD600  }
0x37: {  	[tilespmem:s19], [sflag:$0x1] =	stream.indirect.gather [hbm4b:s4+s18], $0x20, s9, s18, $0xb8;
	[tilespmem:$0xF400] =	vst v63  }
0x38: {  	_ = 	snop  }
0x39: {  	[tilespmem:s20], [sflag:$0x2] =	stream.indirect.gather [hbm4b:s5+s18], $0x10, s17, s18, $0xb8;
	[tilespmem:$0xF400] =	vst v63  }
0x3a: {  	s7 =	simm.s32 $0x80  }
0x3b: {  	[tilespmem:s21], [sflag:$0x3] =	stream.indirect.gather [hbm4b:s4+s18], $0x20, s7, s18, $0xb8;
	[tilespmem:$0xF400] =	vst v63  }
0x3c: {  	s0 =	simm.s32 $0x2A80  }
0x3d: {  	[tilespmem:s22], [sflag:$0x4] =	stream.indirect.gather [hbm4b:s5+s18], $0x10, s0, s18, $0xb8;
	[tilespmem:$0xF400] =	vst v63  }
0x3e: {  	_ =	swait.ge [sflag:s23], $0x1000  }
0x3f: {  	[sflag:s23] =	ssyncset.done $0x0  }
0x40: {  	[sflag:s23] =	ssyncadd.s32 $0xFFFFF000  }
0x41: {  	_ =	swait.ge [sflag:s24], $0x800  }
0x42: {  	[sflag:s24] =	ssyncset.done $0x0  }
0x43: {  	s7 =	simm.s32 $0x2A00;
	[sflag:s24] =	ssyncadd.s32 $0xFFFFF800  }
0x44: {  	[spmem:s2] =	stream.indirect.scatter.add.f32 [tilespmem:s15], [sflag:$0x5], $0x20, s7, s18, $0xb8;
	[tilespmem:$0xF400] =	vst v63  }
0x45: {  	_ =	swait.ge [sflag:s25], $0x1000  }
0x46: {  	[sflag:s25] =	ssyncset.done $0x0  }
0x47: {  	s8 =	simm.s32 $0x100;
	[sflag:s25] =	ssyncadd.s32 $0xFFFFF000  }
0x48: {  	[tilespmem:s19], [sflag:$0x1] =	stream.indirect.gather [hbm4b:s4+s18], $0x20, s8, s18, $0xb8;
	[tilespmem:$0xF400] =	vst v63  }
0x49: {  	s9 =	simm.s32 $0x2B00  }
0x4a: {  	[tilespmem:s20], [sflag:$0x2] =	stream.indirect.gather [hbm4b:s5+s18], $0x10, s9, s18, $0xb8;
	[tilespmem:$0xF400] =	vst v63  }
0x4b: {  	_ =	swait.ge [sflag:s26], $0x1000  }
0x4c: {  	[sflag:s26] =	ssyncset.done $0x0  }
0x4d: {  	[sflag:s26] =	ssyncadd.s32 $0xFFFFF000  }
0x4e: {  	_ =	swait.ge [sflag:s28], $0x800  }
0x4f: {  	[sflag:s28] =	ssyncset.done $0x0  }
0x50: {  	[sflag:s28] =	ssyncadd.s32 $0xFFFFF800  }
0x51: {  	[spmem:s2] =	stream.indirect.scatter.add.f32 [tilespmem:s29], [sflag:$0x6], $0x20, s0, s18, $0xb8;
	[tilespmem:$0xF400] =	vst v63  }
0x52: {  	_ =	swait.ge [sflag:s30], $0x1000  }
0x53: {  	s31 =	simm.s32 $0x100;
	s0 =	simm.s32 $0x800;
	[sflag:s30] =	ssyncset.done $0x0  }
.LBB2_4:
0x54: {  	s7 =	sadd.s32 $0x80, s31  }
0x55: {  	[sflag:s30] =	ssyncadd.s32 $0xFFFFF000;
	s8 =	smov.u32 s0;
	s9 =	sadd.s32 $0x400, s0  }
0x56: {  	[tilespmem:s21], [sflag:$0x3] =	stream.indirect.gather [hbm4b:s4+s18], $0x20, s7, s18, $0xb8;
	[tilespmem:$0xF400] =	vst v63  }
0x57: {  	p0 =	sne.s32 s0, $0xA000;
	s0 =	sadd.s32 $0x2A80, s31  }
0x58: {  	[tilespmem:s22], [sflag:$0x4] =	stream.indirect.gather [hbm4b:s5+s18], $0x10, s0, s18, $0xb8;
	[tilespmem:$0xF400] =	vst v63  }
0x59: {  	_ =	swait.ge [sflag:s23], $0x1000  }
0x5a: {  	[sflag:s23] =	ssyncset.done $0x0  }
0x5b: {  	[sflag:s23] =	ssyncadd.s32 $0xFFFFF000  }
0x5c: {  	_ =	swait.ge [sflag:s24], $0x800  }
0x5d: {  	[sflag:s24] =	ssyncset.done $0x0  }
0x5e: {  	s7 =	sadd.s32 $0x2A00, s31;
	[sflag:s24] =	ssyncadd.s32 $0xFFFFF800  }
0x5f: {  	[spmem:s2] =	stream.indirect.scatter.add.f32 [tilespmem:s15], [sflag:$0x5], $0x20, s7, s18, $0xb8;
	[tilespmem:$0xF400] =	vst v63  }
0x60: {  	_ =	swait.ge [sflag:s25], $0x1000  }
0x61: {  	[sflag:s25] =	ssyncset.done $0x0  }
0x62: {  	s7 =	sadd.s32 $0x100, s31;
	[sflag:s25] =	ssyncadd.s32 $0xFFFFF000  }
0x63: {  	[tilespmem:s19], [sflag:$0x1] =	stream.indirect.gather [hbm4b:s4+s18], $0x20, s7, s18, $0xb8;
	[tilespmem:$0xF400] =	vst v63  }
0x64: {  	s7 =	sadd.s32 $0x2B00, s31  }
0x65: {  	[tilespmem:s20], [sflag:$0x2] =	stream.indirect.gather [hbm4b:s5+s18], $0x10, s7, s18, $0xb8;
	[tilespmem:$0xF400] =	vst v63  }
0x66: {  	_ =	swait.ge [sflag:s26], $0x1000  }
0x67: {  	[sflag:s26] =	ssyncset.done $0x0  }
0x68: {  	[sflag:s26] =	ssyncadd.s32 $0xFFFFF000  }
0x69: {  	_ =	swait.ge [sflag:s28], $0x800  }
.Ltmp1:
0x6a: {  	[sflag:s28] =	ssyncset.done $0x0;
	(pc) =	sbr.rel @p0 .LBB2_4-.Ltmp1, $4  }
0x6b: {  	[sflag:s28] =	ssyncadd.s32 $0xFFFFF800  }
0x6c: {  	[spmem:s2] =	stream.indirect.scatter.add.f32 [tilespmem:s29], [sflag:$0x6], $0x20, s0, s18, $0xb8;
	[tilespmem:$0xF400] =	vst v63  }
0x6d: {  	_ =	swait.ge [sflag:s30], $0x1000  }
0x6e: {  	s31 =	sshra.s32 s8, $0x2;
	s0 =	smov.u32 s9;
	[sflag:s30] =	ssyncset.done $0x0  }
0x6f: {  	s0 =	sadd.s32 $0x80, s31;
	[sflag:s30] =	ssyncadd.s32 $0xFFFFF000  }
0x70: {  	[tilespmem:s21], [sflag:$0x3] =	stream.indirect.gather [hbm4b:s4+s18], $0x20, s0, s18, $0xb8;
	[tilespmem:$0xF400] =	vst v63  }
0x71: {  	s8 =	sadd.s32 $0x2A80, s31  }
0x72: {  	[tilespmem:s22], [sflag:$0x4] =	stream.indirect.gather [hbm4b:s5+s18], $0x10, s8, s18, $0xb8;
	[tilespmem:$0xF400] =	vst v63  }
0x73: {  	_ =	swait.ge [sflag:s23], $0x1000  }
0x74: {  	[sflag:s23] =	ssyncset.done $0x0  }
0x75: {  	[sflag:s23] =	ssyncadd.s32 $0xFFFFF000  }
0x76: {  	_ =	swait.ge [sflag:s24], $0x800  }
0x77: {  	[sflag:s24] =	ssyncset.done $0x0  }
0x78: {  	s7 =	sadd.s32 $0x2A00, s31;
	[sflag:s24] =	ssyncadd.s32 $0xFFFFF800  }
0x79: {  	[spmem:s2] =	stream.indirect.scatter.add.f32 [tilespmem:s15], [sflag:$0x5], $0x20, s7, s18, $0xb8;
	[tilespmem:$0xF400] =	vst v63  }
0x7a: {  	_ =	swait.ge [sflag:s25], $0x1000  }
0x7b: {  	[sflag:s25] =	ssyncset.done $0x0  }
0x7c: {  	s9 =	sadd.s32 $0x100, s31;
	[sflag:s25] =	ssyncadd.s32 $0xFFFFF000  }
0x7d: {  	[tilespmem:s19], [sflag:$0x1] =	stream.indirect.gather [hbm4b:s4+s18], $0x20, s9, s18, $0xb8;
	[tilespmem:$0xF400] =	vst v63  }
0x7e: {  	s31 =	sadd.s32 $0x2B00, s31  }
0x7f: {  	[tilespmem:s20], [sflag:$0x2] =	stream.indirect.gather [hbm4b:s5+s18], $0x10, s31, s18, $0xb8;
	[tilespmem:$0xF400] =	vst v63  }
0x80: {  	_ =	swait.ge [sflag:s26], $0x1000  }
0x81: {  	[sflag:s26] =	ssyncset.done $0x0  }
0x82: {  	[sflag:s26] =	ssyncadd.s32 $0xFFFFF000  }
0x83: {  	_ =	swait.ge [sflag:s28], $0x800  }
0x84: {  	[sflag:s28] =	ssyncset.done $0x0  }
0x85: {  	[sflag:s28] =	ssyncadd.s32 $0xFFFFF800  }
0x86: {  	[spmem:s2] =	stream.indirect.scatter.add.f32 [tilespmem:s29], [sflag:$0x6], $0x20, s8, s18, $0xb8;
	[tilespmem:$0xF400] =	vst v63  }
0x87: {  	_ =	swait.ge [sflag:s30], $0x1000  }
0x88: {  	[sflag:s30] =	ssyncset.done $0x0  }
0x89: {  	s7 =	simm.s32 $0x2980;
	[sflag:s30] =	ssyncadd.s32 $0xFFFFF000  }
0x8a: {  	[tilespmem:s21], [sflag:$0x3] =	stream.indirect.gather [hbm4b:s4+s18], $0x20, s7, s18, $0xb8;
	[tilespmem:$0xF400] =	vst v63  }
0x8b: {  	_ = 	snop  }
0x8c: {  	[tilespmem:s22], [sflag:$0x4] =	stream.indirect.gather [hbm4b:s5+s18], $0x10, s1, s18, $0xb8;
	[tilespmem:$0xF400] =	vst v63  }
0x8d: {  	_ =	swait.ge [sflag:s23], $0x1000  }
0x8e: {  	[sflag:s23] =	ssyncset.done $0x0  }
0x8f: {  	[sflag:s23] =	ssyncadd.s32 $0xFFFFF000  }
0x90: {  	_ =	swait.ge [sflag:s24], $0x800  }
0x91: {  	[sflag:s24] =	ssyncset.done $0x0  }
0x92: {  	s8 =	simm.s32 $0x5300;
	[sflag:s24] =	ssyncadd.s32 $0xFFFFF800  }
0x93: {  	[spmem:s2] =	stream.indirect.scatter.add.f32 [tilespmem:s15], [sflag:$0x5], $0x20, s8, s18, $0xb8;
	[tilespmem:$0xF400] =	vst v63  }
0x94: {  	_ =	swait.ge [sflag:s25], $0x1000  }
0x95: {  	[sflag:s25] =	ssyncset.done $0x0  }
0x96: {  	[sflag:s25] =	ssyncadd.s32 $0xFFFFF000  }
0x97: {  	_ =	swait.ge [sflag:s26], $0x1000  }
0x98: {  	[sflag:s26] =	ssyncset.done $0x0  }
0x99: {  	[sflag:s26] =	ssyncadd.s32 $0xFFFFF000  }
0x9a: {  	_ =	swait.ge [sflag:s28], $0x800  }
0x9b: {  	[sflag:s28] =	ssyncset.done $0x0  }
0x9c: {  	[sflag:s28] =	ssyncadd.s32 $0xFFFFF800  }
0x9d: {  	[spmem:s2] =	stream.indirect.scatter.add.f32 [tilespmem:s29], [sflag:$0x6], $0x20, s1, s18, $0xb8;
	[tilespmem:$0xF400] =	vst v63  }
0x9e: {  	s9 =	stileid.u32;
	_ =	swait.ge [sflag:s30], $0x1000  }
0x9f: {  	s3 =	sadd.s32 $0x1, s3;
	s0 =	sshll.u32 s9, $0x6;
	[sflag:s30] =	ssyncset.done $0x0  }
0xa0: {  	p0 =	sne.s32 s3, s14;
	s0 =	sor.u32 $0x1C07, s0;
	[sflag:s30] =	ssyncadd.s32 $0xFFFFF000  }
.Ltmp2:
0xa1: {  	s31 =	sshrl.u32 s6, $0x3;
	[bflag:$0x0] =	sbarrier.arrive $0xFFFF;
	(pc) =	sbr.rel @p0 .LBB2_1-.Ltmp2, $4  }
0xa2: {  	[hbm:s13], [sflag:s0] =	dma.local [spmem:s31], $0xA00  }
0xa3: {  	_ =	swait.ge [sflag:s16], $0xA00  }
0xa4: {  	[sflag:s16] =	ssyncset.done $0x0  }
0xa5: {  	[sflag:s16] =	ssyncadd.s32 $0xFFFFF600  }
0xa6: {  	_ =	sfence.sel $0x180000  }
0xa7: {  	[bflag:$0x0] =	sbarrier.arrive $0xFFFF  }
0xa8: {  	_ =	strace $0x9000004A  }
0xa9: {  	s0 =	stileid.u32;
	[bflag:$0x2] =	sbarrier.arrive $0xFFFF  }
0xaa: {  	p0 =	sne.s32 s0, $0x0;
	s0 =	rddreg [dreg:$0x2]  }
0xab: {  	s0 =	sadd.s32 @!p0 $0x100000, s0  }
0xac: {  	[sflag:s0] =	ssyncadd.tile.s32 @!p0 $0x1;
	_ =	shalt  }
.Lfunc_end2:
_tile_overlayer_lowered:
.L_overlay_start_2:
0xad: {  	(tag) =	ssettag $0x2  }
0xae: {  	s0 =	rddreg [dreg:$0x0];
	s2 =	stileid.u32  }
0xaf: {  	s1 =	rddreg [dreg:$0x1];
	p0 =	sne.s32 s2, $0x0  }
0xb0: {  	s3 =	rddreg [dreg:$0x2];
	[bflag:$0x3] =	sbarrier.arrive $0xFFFF;
	s2 =	simm.s32 @!p0 $0x1C07  }
0xb1: {  	[timem:s3], [sflag:s2] =	dma.local @!p0 [hbm:s0], s1  }
0xb2: {  	s0 =	simm.s32 @!p0 $0x7  }
0xb3: {  	_ =	swait.ge @!p0 [sflag:s0], s1  }
0xb4: {  	s1 =	ssub.s32 @!p0 $0x0, s1;
	[sflag:s0] =	ssyncset.done @!p0 $0x0  }
0xb5: {  	[sflag:s0] =	ssyncadd.s32 @!p0 s1  }
0xb6: {  	[bflag:$0x3] =	sbarrier.arrive $0xFFFF  }
0xb7: {  	_ =	shalt  }

// kernel: kernel.7.cloned.1.call-start
scs
__scs_entry_jumppad:
0x0: {  	(pc) =	sbr.rel $0x88, $3  }
0x1: {  	(tag) =	ssettag $0x0;
	lr =	simm.s32 $0x1  }
0x2: {  	[smem:$0x3F9A] =	sst lr;
	_ =	strace $0xD0000000  }
0x3: {  	_ = 	snop  }
0x4: {  	_ = 	snop  }
0x5: {  	_ = 	snop  }
0x6: {  	_ = 	snop  }
0x7: {  	_ = 	snop  }
__scs_overlays_trampoline_lowered:
0x8: {  	[smem:$0x3FA9] =	sst s0  }
0x9: {  	[smem:$0x3FAA] =	sst s1  }
0xa: {  	[smem:$0x3FAB] =	sst s2  }
0xb: {  	[smem:$0x3FAC] =	sst s3  }
0xc: {  	[smem:$0x3FAD] =	sst s4  }
0xd: {  	[smem:$0x3FAE] =	sst s5  }
0xe: {  	[smem:$0x3FAF] =	sst s6  }
0xf: {  	[smem:$0x3FB0] =	sst s7  }
0x10: {  	[smem:$0x3FB1] =	sst s8  }
0x11: {  	[smem:$0x3FB2] =	sst s9;
	s0 =	simm.s32 @!p0 $0x0  }
0x12: {  	s1 =	sld [smem:$0x3F98];
	s0 =	simm.s32 @p0 $0x1  }
0x13: {  	[smem:$0x3FB3] =	sst s0;
	s0 =	simm.s32 @!p1 $0x0  }
0x14: {  	s2 =	sld [smem:$0x3F97];
	s0 =	simm.s32 @p1 $0x1  }
0x15: {  	[smem:$0x3FB4] =	sst s0;
	s0 =	simm.s32 @!p2 $0x0  }
0x16: {  	s3 =	sld [smem:$0x3FDB];
	s0 =	simm.s32 @p2 $0x1  }
0x17: {  	s4 =	simm.s32 $0x1BF5;
	[smem:$0x3FB6] =	sst s0  }
0x18: {  	s0 =	sld [smem:$0x3F99];
	_ =	swait.ge [sflag:s4], $0x0  }
0x19: {  	s7 =	sld [smem:$0x3F9A]  }
0x1a: {  	s8 =	sadd.s32 $0xFFFFE003, lr  }
0x1b: {  	s9 =	sadd.s32 $0xFFFFFEF7, lr;
	s5 =	simm.s32 $0xFFFFFFFF;
	p2 =	slt.u32 s8, $0xFFFFF086  }
0x1c: {  	p1 =	slt.u32 s9, $0xF7A;
	s5 =	simm.s32 @!p2 $0x0  }
0x1d: {  	s5 =	simm.s32 @p1 $0x1;
	p0 =	seq.s32 s7, s2  }
0x1e: {  	s7 =	smul.u32 @!p0 $0xF7A, s2;
	p2 =	seq.s32 @!p0 s5, $0x0  }
0x1f: {  	s9 =	smul.u32 $0xF7A, s1;
	s8 =	simm.s32 @!p0 $0x1BF5;
	p2 =	por !p2, p0  }
0x20: {  	[sflag:s8] =	ssyncset.s32 @!p0 $0xFFFFF086;
	s6 =	sadd.s32 @!p0 s3, s7;
	s7 =	simm.s32 @!p0 $0x108  }
0x21: {  	s3 =	sadd.s32 s3, s9;
	s6 =	sadd.s32 @!p0 $0x88, s6;
	s7 =	simm.s32 @p2 $0x1082  }
0x22: {  	[simem:s7], [sflag:s8] =	dma.local @!p0 [hbm:s6], $0xF7A  }
0x23: {  	s9 =	sor.u32 $0xD0000000, s2;
	s6 =	simm.s32 $0x108;
	_ =	swait.ge @!p0 [sflag:s8], $0x0  }
0x24: {  	s3 =	sadd.s32 $0x88, s3;
	s6 =	simm.s32 @!p1 $0x1082;
	[sflag:s4] =	ssyncset.s32 $0xFFFFF086  }
0x25: {  	[simem:s6], [sflag:s4] =	dma.local [hbm:s3], $0xF7A  }
0x26: {  	[smem:$0x3F9A] =	sst s1;
	(tag) =	ssettag s2;
	_ =	strace s9  }
0x27: {  	s1 =	sld [smem:$0x3FAA]  }
0x28: {  	s2 =	sld [smem:$0x3FAB]  }
0x29: {  	s4 =	sld [smem:$0x3FAD]  }
0x2a: {  	p0 =	seq.s32 s5, $0x0;
	s5 =	sld [smem:$0x3FAE]  }
0x2b: {  	s6 =	sld [smem:$0x3FAF]  }
0x2c: {  	s7 =	sld [smem:$0x3FB0]  }
0x2d: {  	s3 =	simm.s32 $0x108;
	s8 =	sld [smem:$0x3FB1]  }
0x2e: {  	s3 =	simm.s32 @!p0 $0x1082;
	s9 =	sld [smem:$0x3FB2]  }
0x2f: {  	lr =	sadd.s32 s0, s3;
	s0 =	sld [smem:$0x3FA9]  }
0x30: {  	s3 =	sld [smem:$0x3FAC]  }
0x31: {  	[smem:$0x3FB5] =	sst s10  }
0x32: {  	s10 =	sld [smem:$0x3FB3];
	_ =	sdelay $0x3  }
0x33: {  	p0 =	seq.s32 s10, $0x1;
	s10 =	sld [smem:$0x3FB5];
	_ =	sdelay $0x3  }
0x34: {  	[smem:$0x3FB5] =	sst s10  }
0x35: {  	s10 =	sld [smem:$0x3FB4];
	_ =	sdelay $0x3  }
0x36: {  	p1 =	seq.s32 s10, $0x1;
	s10 =	sld [smem:$0x3FB5];
	_ =	sdelay $0x3  }
0x37: {  	[smem:$0x3FB5] =	sst s10  }
0x38: {  	s10 =	sld [smem:$0x3FB6]  }
0x39: {  	_ = 	snop;
	(pc) =	sbr.ind lr, $3  }
0x3a: {  	_ = 	snop  }
0x3b: {  	_ = 	snop  }
0x3c: {  	p2 =	seq.s32 s10, $0x1;
	s10 =	sld [smem:$0x3FB5]  }
0x3d: {  	_ =	shalt  }
0x3e: {  	_ =	shalt  }
0x3f: {  	_ =	shalt  }
0x40: {  	_ =	shalt  }
0x41: {  	_ =	shalt  }
0x42: {  	_ =	shalt  }
0x43: {  	_ =	shalt  }
0x44: {  	_ =	shalt  }
0x45: {  	_ =	shalt  }
0x46: {  	_ =	shalt  }
0x47: {  	_ =	shalt  }
0x48: {  	_ =	shalt  }
0x49: {  	_ =	shalt  }
0x4a: {  	_ =	shalt  }
0x4b: {  	_ =	shalt  }
0x4c: {  	_ =	shalt  }
0x4d: {  	_ =	shalt  }
0x4e: {  	_ =	shalt  }
0x4f: {  	_ =	shalt  }
0x50: {  	_ =	shalt  }
0x51: {  	_ =	shalt  }
0x52: {  	_ =	shalt  }
0x53: {  	_ =	shalt  }
0x54: {  	_ =	shalt  }
0x55: {  	_ =	shalt  }
0x56: {  	_ =	shalt  }
0x57: {  	_ =	shalt  }
0x58: {  	_ =	shalt  }
0x59: {  	_ =	shalt  }
0x5a: {  	_ =	shalt  }
0x5b: {  	_ =	shalt  }
0x5c: {  	_ =	shalt  }
0x5d: {  	_ =	shalt  }
0x5e: {  	_ =	shalt  }
0x5f: {  	_ =	shalt  }
0x60: {  	_ =	shalt  }
0x61: {  	_ =	shalt  }
0x62: {  	_ =	shalt  }
0x63: {  	_ =	shalt  }
0x64: {  	_ =	shalt  }
0x65: {  	_ =	shalt  }
0x66: {  	_ =	shalt  }
0x67: {  	_ =	shalt  }
0x68: {  	_ =	shalt  }
0x69: {  	_ =	shalt  }
0x6a: {  	_ =	shalt  }
0x6b: {  	_ =	shalt  }
0x6c: {  	_ =	shalt  }
0x6d: {  	_ =	shalt  }
0x6e: {  	_ =	shalt  }
0x6f: {  	_ =	shalt  }
0x70: {  	_ =	shalt  }
0x71: {  	_ =	shalt  }
0x72: {  	_ =	shalt  }
0x73: {  	_ =	shalt  }
0x74: {  	_ =	shalt  }
0x75: {  	_ =	shalt  }
0x76: {  	_ =	shalt  }
0x77: {  	_ =	shalt  }
0x78: {  	_ =	shalt  }
0x79: {  	_ =	shalt  }
0x7a: {  	_ =	shalt  }
0x7b: {  	_ =	shalt  }
0x7c: {  	_ =	shalt  }
0x7d: {  	_ =	shalt  }
0x7e: {  	_ =	shalt  }
0x7f: {  	_ =	shalt  }
0x80: {  	_ =	shalt  }
0x81: {  	_ =	shalt  }
0x82: {  	_ =	shalt  }
0x83: {  	_ =	shalt  }
0x84: {  	_ =	shalt  }
0x85: {  	_ =	shalt  }
0x86: {  	_ =	shalt  }
0x87: {  	_ =	shalt  }
.Lfunc_end0:
.L_simem_size_0:
called_computation_lowered:
.L_overlay_start_0:
0x88: {  	s2 =	sld [smem:$0x3FD9]  }
0x89: {  	s3 =	sld [smem:$0x3FFE];
	_ =	sdelay $0x1  }
0x8a: {  	s1 =	srdreg.scid  }
0x8b: {  	s0 =	sand.u32 $0x1, s1  }
0x8c: {  	s16 =	sshll.u32 s0, $0xA;
	s2 =	sadd.s32 s3, s2  }
0x8d: {  	s2 =	sadd.s32 s2, s16  }
0x8e: {  	[smem:$0x3FC1] =	sst s2  }
0x8f: {  	_ = 	snop  }
0x90: {  	(tm) =	ssettm $0x1  }
0x91: {  	s17 =	sld [smem:$0x3FFB];
	_ =	sdelay $0x3  }
0x92: {  	_ =	strace s17  }
0x93: {  	s2 =	sld [smem:$0x3FFC];
	_ =	sdelay $0x3  }
0x94: {  	_ =	strace s2  }
0x95: {  	s2 =	sld [smem:$0x3FFD];
	_ =	sdelay $0x3  }
0x96: {  	_ =	strace s2  }
0x97: {  	_ =	strace $0x8FFFFFFF  }
0x98: {  	s18 =	sld [smem:$0x3FDB];
	_ =	sdelay $0x1  }
0x99: {  	s19 =	simm.s32 $_scs_section_size  }
0x9a: {  	s4 =	simm.s32 $_size__tile_overlayer_lowered;
	s5 =	simm.s32 $_tile_overlayer_lowered  }
0x9b: {  	s22 =	simm.s32 $0x1BFF;
	s21 =	sshll.u32 s5, $0x1;
	s2 =	sadd.s32 s19, s18  }
0x9c: {  	s6 =	simm.s32 $0x0;
	s20 =	sshll.u32 s4, $0x1;
	s4 =	sadd.s32 s21, s2  }
0x9d: {  	[timem:s6], [sflag:s22] =	dma.local [hbm:s4], s20  }
0x9e: {  	_ =	swait.ge [sflag:s22], s20  }
0x9f: {  	s3 =	ssub.s32 $0x0, s20;
	[sflag:s22] =	ssyncset.done $0x0  }
0xa0: {  	[sflag:s22] =	ssyncadd.s32 s3;
	_ =	sdelay $0x1  }
0xa1: {  	s23 =	simm.s32 $0x1B8B  }
0xa2: {  	_ =	swait.ge [sflag:s23], $0x1  }
0xa3: {  	[sflag:s23] =	ssyncset.done $0x0  }
0xa4: {  	s25 =	simm.s32 $0x1B8E;
	s24 =	sld [smem:$0x3FFE];
	[sflag:s23] =	ssyncadd.s32 $0xFFFFFFFF  }
0xa5: {  	s26 =	simm.s32 $execute0_lowered;
	[smem:$0x3FD2] =	sst s25  }
0xa6: {  	s4 =	sshll.u32 s26, $0x1;
	_ =	strace $0x80000046;
	[dreg:$0x1] =	wrdreg $0xFFFFFFFF  }
0xa7: {  	s28 =	simm.s32 $_size_execute0_lowered;
	s2 =	sadd.s32 s2, s4;
	[dreg:$0x0] =	wrdreg $0x0  }
0xa8: {  	s4 =	sshll.u32 s28, $0x1;
	[dreg:$0x2] =	wrdreg s2  }
0xa9: {  	[dreg:$0x3] =	wrdreg s4  }
0xaa: {  	[dreg:$0x4] =	wrdreg $0xC0  }
0xab: {  	_ =	task [dreg:s6], $0x5FFFF  }
0xac: {  	[dreg:$0x1] =	wrdreg $0xFFFFFFFF  }
0xad: {  	[dreg:$0x0] =	wrdreg $0x60  }
0xae: {  	[dreg:$0x2] =	wrdreg s24  }
0xaf: {  	[dreg:$0x3] =	wrdreg $0xA4000  }
0xb0: {  	[dreg:$0x4] =	wrdreg $0x9  }
0xb1: {  	_ =	task.clear_ibuf [dreg:s6], $0x5FFFF;
	_ =	strace $0x90000046  }
0xb2: {  	s29 =	simm.s32 $0x9;
	_ =	strace $0x80000048  }
0xb3: {  	_ =	swait.ge [sflag:s29], $0x1  }
0xb4: {  	[sflag:s29] =	ssyncadd.s32 $0xFFFFFFFF  }
0xb5: {  	_ =	strace $0x90000048  }
0xb6: {  	_ =	sfence  }
0xb7: {  	s30 =	sld [smem:$0x0];
	_ =	sdelay $0x2  }
0xb8: {  	s31 =	sshll.u32 s1, $0xD;
	s1 =	sshrl.u32 s1, $0x2  }
0xb9: {  	s3 =	sand.u32 $0x4000, s31;
	s1 =	sadd.s32 s1, s30  }
0xba: {  	s0 =	sor.u32 s3, s0;
	s1 =	sshll.u32 s1, $0x11  }
0xbb: {  	s0 =	sor.u32 s1, s0  }
0xbc: {  	s0 =	sadd.s32 $0x8F2B, s0  }
0xbd: {  	[sflag:s0] =	ssyncadd.remote.s32 $0x1  }
0xbe: {  	_ =	sfence.sel $0xFFFF  }
0xbf: {  	[dreg:$0x0] =	wrdreg $0xFFFFFFFF;
	(pc) =	sbr.abs _section_cstart, $3  }
0xc0: {  	[dreg:$0x1] =	wrdreg $0xFFFFFFFF  }
0xc1: {  	_ =	task.clear_ibuf [dreg:s6], $0x2FFFF;
	_ =	strace $0x9FFFFFFF  }
0xc2: {  	(tm) =	ssettm $0x7FFFFFFF  }
0xc3: {  	_ =	shalt  }
tec
execute0_lowered:
.L_overlay_start_1:
0x0: {  	(tag) =	ssettag $0x1  }
0x1: {  	s0 =	srdreg.scid;
	s1 =	rddreg [dreg:$0x0]  }
0x2: {  	s5 =	stileid.u32;
	s2 =	rddreg [dreg:$0x1];
	s15 =	simm.s32 $0x8400  }
0x3: {  	s16 =	simm.s32 $0x7;
	s17 =	simm.s32 $0x2A00;
	s18 =	simm.s32 $0x80  }
0x4: {  	s19 =	simm.s32 $0x5400;
	s20 =	simm.s32 $0x6400;
	s21 =	simm.s32 $0x6C00  }
0x5: {  	s22 =	simm.s32 $0x7C00;
	s23 =	simm.s32 $0x1;
	s24 =	simm.s32 $0x2  }
0x6: {  	s28 =	simm.s32 $0x4;
	s29 =	simm.s32 $0x9400;
	s6 =	smul.u32 $0x5000, s5  }
0x7: {  	s30 =	simm.s32 $0x6;
	s0 =	sand.u32 $0x1, s0;
	s8 =	smul.u32 $0x14000, s5  }
0x8: {  	s3 =	sshll.u32 s0, $0x4;
	s7 =	smul.u32 $0x50000, s0;
	s0 =	ssub.s32 $0x2, s0  }
0x9: {  	s4 =	sor.u32 s5, s3;
	s3 =	simm.s32 $0x0;
	s5 =	sadd.s32 $0x1FE00, s1  }
0xa: {  	s9 =	sshrl.u32 s0, $0x1;
	s8 =	sshrl.u32 s8, $0x2;
	s4 =	smul.u32 $0x540, s4  }
0xb: {  	[smem:$0x7FF] =	sst s3;
	s7 =	sadd.s32 s6, s7;
	s0 =	ssub.s32 s0, s9  }
0xc: {  	s10 =	sadd.s32 s8, s2;
	s6 =	sadd.s32 s6, s2;
	_ =	strace $0x80000047  }
0xd: {  	s7 =	sshrl.u32 s7, $0x3;
	s25 =	sadd.s32 $0x1000, s10;
	s26 =	sadd.s32 $0x2000, s10  }
0xe: {  	s31 =	sadd.s32 $0x3000, s10;
	s10 =	sadd.s32 $0x4000, s10;
	[dreg:$0x3] =	wrdreg s25  }
0xf: {  	s14 =	smax.u32 s0, $0x1;
	s12 =	sadd.s32 s4, s1;
	[dreg:$0x4] =	wrdreg s26  }
0x10: {  	s4 =	sadd.s32 $0x15E00, s1;
	s1 =	sadd.s32 s7, s1;
	[dreg:$0x5] =	wrdreg s31  }
0x11: {  	s25 =	simm.s32 $0x5;
	s26 =	simm.s32 $0x3;
	s11 =	sadd.s32 $0xB600, s12  }
0x12: {  	v0 =	vimm.f32 $0.0e+00;
	s12 =	sadd.s32 $0xE00, s12;
	s13 =	sadd.s32 $0x24E00, s1;
	s1 =	simm.s32 $0x5380  }
.LBB2_1:
0x13: {  	s31 =	simm.s32 $0x80;
	s0 =	simm.s32 $0x0  }
.LBB2_2:
0x14: {  	p0 =	sne.s32 s31, $0x3F80;
	[tilespmem:s0+$0x8400] =	vst v0;
	s7 =	smov.u32 s31;
	s31 =	sadd.s32 $0x80, s31  }
.Ltmp0:
0x15: {  	[tilespmem:s0+$0x8410] =	vst v0;
	(pc) =	sbr.rel @p0 .LBB2_2-.Ltmp0, $2  }
0x16: {  	_ =	sdelay $0x2  }
0x17: {  	s0 =	sshra.s32 s7, $0x2  }
0x18: {  	[tilespmem:s0+$0x8400] =	vst v0  }
0x19: {  	[tilespmem:s0+$0x8410] =	vst v0  }
0x1a: {  	[spmem:s6] =	stream.linear.scatter [tilespmem:s15], [sflag:$0x7], $0x1000, $0x38;
	[tilespmem:$0xF400] =	vst v63  }
0x1b: {  	_ =	swait.ge [sflag:s16], $0x1000  }
0x1c: {  	[sflag:s16] =	ssyncset.done $0x0  }
0x1d: {  	s9 =	rddreg [dreg:$0x3];
	[sflag:s16] =	ssyncadd.s32 $0xFFFFF000  }
0x1e: {  	[spmem:s9] =	stream.linear.scatter [tilespmem:s15], [sflag:$0x7], $0x1000, $0x38;
	[tilespmem:$0xF400] =	vst v63  }
0x1f: {  	_ =	swait.ge [sflag:s16], $0x1000  }
0x20: {  	[sflag:s16] =	ssyncset.done $0x0  }
0x21: {  	s7 =	rddreg [dreg:$0x4];
	[sflag:s16] =	ssyncadd.s32 $0xFFFFF000  }
0x22: {  	[spmem:s7] =	stream.linear.scatter [tilespmem:s15], [sflag:$0x7], $0x1000, $0x38;
	[tilespmem:$0xF400] =	vst v63  }
0x23: {  	_ =	swait.ge [sflag:s16], $0x1000  }
0x24: {  	[sflag:s16] =	ssyncset.done $0x0  }
0x25: {  	s8 =	rddreg [dreg:$0x5];
	[sflag:s16] =	ssyncadd.s32 $0xFFFFF000  }
0x26: {  	[spmem:s8] =	stream.linear.scatter [tilespmem:s15], [sflag:$0x7], $0x1000, $0x38;
	[tilespmem:$0xF400] =	vst v63  }
0x27: {  	_ =	swait.ge [sflag:s16], $0x1000  }
0x28: {  	[sflag:s16] =	ssyncset.done $0x0  }
0x29: {  	[sflag:s16] =	ssyncadd.s32 $0xFFFFF000  }
0x2a: {  	[spmem:s10] =	stream.linear.scatter [tilespmem:s15], [sflag:$0x7], $0x1000, $0x38;
	[tilespmem:$0xF400] =	vst v63  }
0x2b: {  	_ =	swait.ge [sflag:s16], $0x1000  }
0x2c: {  	[sflag:s16] =	ssyncset.done $0x0  }
0x2d: {  	[sflag:s16] =	ssyncadd.s32 $0xFFFFF000  }
0x2e: {  	s9 =	simm.s32 $0x0;
	[bflag:$0x0] =	sbarrier.arrive $0xFFFF  }
0x2f: {  	[tilespmem:s9], [sflag:$0x7] =	stream.linear.gather [hbm4b:s11+s9], $0x2A00, $0x38;
	[tilespmem:$0xF400] =	vst v63  }
0x30: {  	_ =	swait.ge [sflag:s16], $0x2A00  }
0x31: {  	[sflag:s16] =	ssyncset.done $0x0  }
0x32: {  	[sflag:s16] =	ssyncadd.s32 $0xFFFFD600  }
0x33: {  	[tilespmem:s17], [sflag:$0x7] =	stream.linear.gather [hbm4b:s12+s9], $0x2A00, $0x38;
	[tilespmem:$0xF400] =	vst v63  }
0x34: {  	_ =	swait.ge [sflag:s16], $0x2A00  }
0x35: {  	[sflag:s16] =	ssyncset.done $0x0  }
0x36: {  	[sflag:s16] =	ssyncadd.s32 $0xFFFFD600  }
0x37: {  	[tilespmem:s19], [sflag:$0x1] =	stream.indirect.gather [hbm4b:s4+s18], $0x20, s9, s18, $0xb8;
	[tilespmem:$0xF400] =	vst v63  }
0x38: {  	_ = 	snop  }
0x39: {  	[tilespmem:s20], [sflag:$0x2] =	stream.indirect.gather [hbm4b:s5+s18], $0x10, s17, s18, $0xb8;
	[tilespmem:$0xF400] =	vst v63  }
0x3a: {  	s7 =	simm.s32 $0x80  }
0x3b: {  	[tilespmem:s21], [sflag:$0x3] =	stream.indirect.gather [hbm4b:s4+s18], $0x20, s7, s18, $0xb8;
	[tilespmem:$0xF400] =	vst v63  }
0x3c: {  	s0 =	simm.s32 $0x2A80  }
0x3d: {  	[tilespmem:s22], [sflag:$0x4] =	stream.indirect.gather [hbm4b:s5+s18], $0x10, s0, s18, $0xb8;
	[tilespmem:$0xF400] =	vst v63  }
0x3e: {  	_ =	swait.ge [sflag:s23], $0x1000  }
0x3f: {  	[sflag:s23] =	ssyncset.done $0x0  }
0x40: {  	[sflag:s23] =	ssyncadd.s32 $0xFFFFF000  }
0x41: {  	_ =	swait.ge [sflag:s24], $0x800  }
0x42: {  	[sflag:s24] =	ssyncset.done $0x0  }
0x43: {  	s7 =	simm.s32 $0x2A00;
	[sflag:s24] =	ssyncadd.s32 $0xFFFFF800  }
0x44: {  	[spmem:s2] =	stream.indirect.scatter.add.f32 [tilespmem:s15], [sflag:$0x5], $0x20, s7, s18, $0xb8;
	[tilespmem:$0xF400] =	vst v63  }
0x45: {  	_ =	swait.ge [sflag:s25], $0x1000  }
0x46: {  	[sflag:s25] =	ssyncset.done $0x0  }
0x47: {  	s8 =	simm.s32 $0x100;
	[sflag:s25] =	ssyncadd.s32 $0xFFFFF000  }
0x48: {  	[tilespmem:s19], [sflag:$0x1] =	stream.indirect.gather [hbm4b:s4+s18], $0x20, s8, s18, $0xb8;
	[tilespmem:$0xF400] =	vst v63  }
0x49: {  	s9 =	simm.s32 $0x2B00  }
0x4a: {  	[tilespmem:s20], [sflag:$0x2] =	stream.indirect.gather [hbm4b:s5+s18], $0x10, s9, s18, $0xb8;
	[tilespmem:$0xF400] =	vst v63  }
0x4b: {  	_ =	swait.ge [sflag:s26], $0x1000  }
0x4c: {  	[sflag:s26] =	ssyncset.done $0x0  }
0x4d: {  	[sflag:s26] =	ssyncadd.s32 $0xFFFFF000  }
0x4e: {  	_ =	swait.ge [sflag:s28], $0x800  }
0x4f: {  	[sflag:s28] =	ssyncset.done $0x0  }
0x50: {  	[sflag:s28] =	ssyncadd.s32 $0xFFFFF800  }
0x51: {  	[spmem:s2] =	stream.indirect.scatter.add.f32 [tilespmem:s29], [sflag:$0x6], $0x20, s0, s18, $0xb8;
	[tilespmem:$0xF400] =	vst v63  }
0x52: {  	_ =	swait.ge [sflag:s30], $0x1000  }
0x53: {  	s31 =	simm.s32 $0x100;
	s0 =	simm.s32 $0x800;
	[sflag:s30] =	ssyncset.done $0x0  }
.LBB2_4:
0x54: {  	s7 =	sadd.s32 $0x80, s31  }
0x55: {  	[sflag:s30] =	ssyncadd.s32 $0xFFFFF000;
	s8 =	smov.u32 s0;
	s9 =	sadd.s32 $0x400, s0  }
0x56: {  	[tilespmem:s21], [sflag:$0x3] =	stream.indirect.gather [hbm4b:s4+s18], $0x20, s7, s18, $0xb8;
	[tilespmem:$0xF400] =	vst v63  }
0x57: {  	p0 =	sne.s32 s0, $0xA000;
	s0 =	sadd.s32 $0x2A80, s31  }
0x58: {  	[tilespmem:s22], [sflag:$0x4] =	stream.indirect.gather [hbm4b:s5+s18], $0x10, s0, s18, $0xb8;
	[tilespmem:$0xF400] =	vst v63  }
0x59: {  	_ =	swait.ge [sflag:s23], $0x1000  }
0x5a: {  	[sflag:s23] =	ssyncset.done $0x0  }
0x5b: {  	[sflag:s23] =	ssyncadd.s32 $0xFFFFF000  }
0x5c: {  	_ =	swait.ge [sflag:s24], $0x800  }
0x5d: {  	[sflag:s24] =	ssyncset.done $0x0  }
0x5e: {  	s7 =	sadd.s32 $0x2A00, s31;
	[sflag:s24] =	ssyncadd.s32 $0xFFFFF800  }
0x5f: {  	[spmem:s2] =	stream.indirect.scatter.add.f32 [tilespmem:s15], [sflag:$0x5], $0x20, s7, s18, $0xb8;
	[tilespmem:$0xF400] =	vst v63  }
0x60: {  	_ =	swait.ge [sflag:s25], $0x1000  }
0x61: {  	[sflag:s25] =	ssyncset.done $0x0  }
0x62: {  	s7 =	sadd.s32 $0x100, s31;
	[sflag:s25] =	ssyncadd.s32 $0xFFFFF000  }
0x63: {  	[tilespmem:s19], [sflag:$0x1] =	stream.indirect.gather [hbm4b:s4+s18], $0x20, s7, s18, $0xb8;
	[tilespmem:$0xF400] =	vst v63  }
0x64: {  	s7 =	sadd.s32 $0x2B00, s31  }
0x65: {  	[tilespmem:s20], [sflag:$0x2] =	stream.indirect.gather [hbm4b:s5+s18], $0x10, s7, s18, $0xb8;
	[tilespmem:$0xF400] =	vst v63  }
0x66: {  	_ =	swait.ge [sflag:s26], $0x1000  }
0x67: {  	[sflag:s26] =	ssyncset.done $0x0  }
0x68: {  	[sflag:s26] =	ssyncadd.s32 $0xFFFFF000  }
0x69: {  	_ =	swait.ge [sflag:s28], $0x800  }
.Ltmp1:
0x6a: {  	[sflag:s28] =	ssyncset.done $0x0;
	(pc) =	sbr.rel @p0 .LBB2_4-.Ltmp1, $4  }
0x6b: {  	[sflag:s28] =	ssyncadd.s32 $0xFFFFF800  }
0x6c: {  	[spmem:s2] =	stream.indirect.scatter.add.f32 [tilespmem:s29], [sflag:$0x6], $0x20, s0, s18, $0xb8;
	[tilespmem:$0xF400] =	vst v63  }
0x6d: {  	_ =	swait.ge [sflag:s30], $0x1000  }
0x6e: {  	s31 =	sshra.s32 s8, $0x2;
	s0 =	smov.u32 s9;
	[sflag:s30] =	ssyncset.done $0x0  }
0x6f: {  	s0 =	sadd.s32 $0x80, s31;
	[sflag:s30] =	ssyncadd.s32 $0xFFFFF000  }
0x70: {  	[tilespmem:s21], [sflag:$0x3] =	stream.indirect.gather [hbm4b:s4+s18], $0x20, s0, s18, $0xb8;
	[tilespmem:$0xF400] =	vst v63  }
0x71: {  	s8 =	sadd.s32 $0x2A80, s31  }
0x72: {  	[tilespmem:s22], [sflag:$0x4] =	stream.indirect.gather [hbm4b:s5+s18], $0x10, s8, s18, $0xb8;
	[tilespmem:$0xF400] =	vst v63  }
0x73: {  	_ =	swait.ge [sflag:s23], $0x1000  }
0x74: {  	[sflag:s23] =	ssyncset.done $0x0  }
0x75: {  	[sflag:s23] =	ssyncadd.s32 $0xFFFFF000  }
0x76: {  	_ =	swait.ge [sflag:s24], $0x800  }
0x77: {  	[sflag:s24] =	ssyncset.done $0x0  }
0x78: {  	s7 =	sadd.s32 $0x2A00, s31;
	[sflag:s24] =	ssyncadd.s32 $0xFFFFF800  }
0x79: {  	[spmem:s2] =	stream.indirect.scatter.add.f32 [tilespmem:s15], [sflag:$0x5], $0x20, s7, s18, $0xb8;
	[tilespmem:$0xF400] =	vst v63  }
0x7a: {  	_ =	swait.ge [sflag:s25], $0x1000  }
0x7b: {  	[sflag:s25] =	ssyncset.done $0x0  }
0x7c: {  	s9 =	sadd.s32 $0x100, s31;
	[sflag:s25] =	ssyncadd.s32 $0xFFFFF000  }
0x7d: {  	[tilespmem:s19], [sflag:$0x1] =	stream.indirect.gather [hbm4b:s4+s18], $0x20, s9, s18, $0xb8;
	[tilespmem:$0xF400] =	vst v63  }
0x7e: {  	s31 =	sadd.s32 $0x2B00, s31  }
0x7f: {  	[tilespmem:s20], [sflag:$0x2] =	stream.indirect.gather [hbm4b:s5+s18], $0x10, s31, s18, $0xb8;
	[tilespmem:$0xF400] =	vst v63  }
0x80: {  	_ =	swait.ge [sflag:s26], $0x1000  }
0x81: {  	[sflag:s26] =	ssyncset.done $0x0  }
0x82: {  	[sflag:s26] =	ssyncadd.s32 $0xFFFFF000  }
0x83: {  	_ =	swait.ge [sflag:s28], $0x800  }
0x84: {  	[sflag:s28] =	ssyncset.done $0x0  }
0x85: {  	[sflag:s28] =	ssyncadd.s32 $0xFFFFF800  }
0x86: {  	[spmem:s2] =	stream.indirect.scatter.add.f32 [tilespmem:s29], [sflag:$0x6], $0x20, s8, s18, $0xb8;
	[tilespmem:$0xF400] =	vst v63  }
0x87: {  	_ =	swait.ge [sflag:s30], $0x1000  }
0x88: {  	[sflag:s30] =	ssyncset.done $0x0  }
0x89: {  	s7 =	simm.s32 $0x2980;
	[sflag:s30] =	ssyncadd.s32 $0xFFFFF000  }
0x8a: {  	[tilespmem:s21], [sflag:$0x3] =	stream.indirect.gather [hbm4b:s4+s18], $0x20, s7, s18, $0xb8;
	[tilespmem:$0xF400] =	vst v63  }
0x8b: {  	_ = 	snop  }
0x8c: {  	[tilespmem:s22], [sflag:$0x4] =	stream.indirect.gather [hbm4b:s5+s18], $0x10, s1, s18, $0xb8;
	[tilespmem:$0xF400] =	vst v63  }
0x8d: {  	_ =	swait.ge [sflag:s23], $0x1000  }
0x8e: {  	[sflag:s23] =	ssyncset.done $0x0  }
0x8f: {  	[sflag:s23] =	ssyncadd.s32 $0xFFFFF000  }
0x90: {  	_ =	swait.ge [sflag:s24], $0x800  }
0x91: {  	[sflag:s24] =	ssyncset.done $0x0  }
0x92: {  	s8 =	simm.s32 $0x5300;
	[sflag:s24] =	ssyncadd.s32 $0xFFFFF800  }
0x93: {  	[spmem:s2] =	stream.indirect.scatter.add.f32 [tilespmem:s15], [sflag:$0x5], $0x20, s8, s18, $0xb8;
	[tilespmem:$0xF400] =	vst v63  }
0x94: {  	_ =	swait.ge [sflag:s25], $0x1000  }
0x95: {  	[sflag:s25] =	ssyncset.done $0x0  }
0x96: {  	[sflag:s25] =	ssyncadd.s32 $0xFFFFF000  }
0x97: {  	_ =	swait.ge [sflag:s26], $0x1000  }
0x98: {  	[sflag:s26] =	ssyncset.done $0x0  }
0x99: {  	[sflag:s26] =	ssyncadd.s32 $0xFFFFF000  }
0x9a: {  	_ =	swait.ge [sflag:s28], $0x800  }
0x9b: {  	[sflag:s28] =	ssyncset.done $0x0  }
0x9c: {  	[sflag:s28] =	ssyncadd.s32 $0xFFFFF800  }
0x9d: {  	[spmem:s2] =	stream.indirect.scatter.add.f32 [tilespmem:s29], [sflag:$0x6], $0x20, s1, s18, $0xb8;
	[tilespmem:$0xF400] =	vst v63  }
0x9e: {  	s9 =	stileid.u32;
	_ =	swait.ge [sflag:s30], $0x1000  }
0x9f: {  	s3 =	sadd.s32 $0x1, s3;
	s0 =	sshll.u32 s9, $0x6;
	[sflag:s30] =	ssyncset.done $0x0  }
0xa0: {  	p0 =	sne.s32 s3, s14;
	s0 =	sor.u32 $0x1C07, s0;
	[sflag:s30] =	ssyncadd.s32 $0xFFFFF000  }
.Ltmp2:
0xa1: {  	s31 =	sshrl.u32 s6, $0x3;
	[bflag:$0x0] =	sbarrier.arrive $0xFFFF;
	(pc) =	sbr.rel @p0 .LBB2_1-.Ltmp2, $4  }
0xa2: {  	[hbm:s13], [sflag:s0] =	dma.local [spmem:s31], $0xA00  }
0xa3: {  	_ =	swait.ge [sflag:s16], $0xA00  }
0xa4: {  	[sflag:s16] =	ssyncset.done $0x0  }
0xa5: {  	[sflag:s16] =	ssyncadd.s32 $0xFFFFF600  }
0xa6: {  	_ =	sfence.sel $0x180000  }
0xa7: {  	[bflag:$0x0] =	sbarrier.arrive $0xFFFF  }
0xa8: {  	_ =	strace $0x90000047  }
0xa9: {  	s0 =	stileid.u32;
	[bflag:$0x2] =	sbarrier.arrive $0xFFFF  }
0xaa: {  	p0 =	sne.s32 s0, $0x0;
	s0 =	rddreg [dreg:$0x2]  }
0xab: {  	s0 =	sadd.s32 @!p0 $0x100000, s0  }
0xac: {  	[sflag:s0] =	ssyncadd.tile.s32 @!p0 $0x1;
	_ =	shalt  }
.Lfunc_end2:
_tile_overlayer_lowered:
.L_overlay_start_2:
0xad: {  	(tag) =	ssettag $0x2  }
0xae: {  	s0 =	rddreg [dreg:$0x0];
	s2 =	stileid.u32  }
0xaf: {  	s1 =	rddreg [dreg:$0x1];
	p0 =	sne.s32 s2, $0x0  }
0xb0: {  	s3 =	rddreg [dreg:$0x2];
	[bflag:$0x3] =	sbarrier.arrive $0xFFFF;
	s2 =	simm.s32 @!p0 $0x1C07  }
0xb1: {  	[timem:s3], [sflag:s2] =	dma.local @!p0 [hbm:s0], s1  }
0xb2: {  	s0 =	simm.s32 @!p0 $0x7  }
0xb3: {  	_ =	swait.ge @!p0 [sflag:s0], s1  }
0xb4: {  	s1 =	ssub.s32 @!p0 $0x0, s1;
	[sflag:s0] =	ssyncset.done @!p0 $0x0  }
0xb5: {  	[sflag:s0] =	ssyncadd.s32 @!p0 s1  }
0xb6: {  	[bflag:$0x3] =	sbarrier.arrive $0xFFFF  }
0xb7: {  	_ =	shalt  }

</sc_bundles>
